<compile_context>
chip_gen: v7x
topology: tpu7x:2x2x1
jax: 0.10.2.dev20260603
libtpu: 0.0.44.dev20260713+nightly
codegen_flags: <defaults>
</compile_context>

<pallas_src>
import functools

import jax
import jax.numpy as jnp
from jax import lax
from jax.experimental import pallas as pl
from jax.experimental.pallas import tpu as pltpu
from jax.experimental.pallas import tpu_sc as plsc

N = 32768
L = 16
NS = 16
SCAN = N // NS
HALF = SCAN // 2
I32_MAX = 2**31 - 1

_mesh = plsc.VectorSubcoreMesh(core_axis_name="c", subcore_axis_name="s",
                               num_cores=1)


@functools.partial(
    pl.kernel,
    out_type=jax.ShapeDtypeStruct((N,), jnp.float32),
    mesh=_mesh,
    compiler_params=pltpu.CompilerParams(needs_layout_passes=False),
    scratch_types=[
        pltpu.VMEM((SCAN,), jnp.float32),
        pltpu.VMEM((SCAN,), jnp.float32),
        pltpu.VMEM((2 * L,), jnp.float32),
        pltpu.VMEM((NS * 2 * L,), jnp.float32),
        pltpu.VMEM_SHARED((NS * 2 * L,), jnp.float32),
        pltpu.SemaphoreType.DMA,
        pltpu.SemaphoreType.DMA,
    ],
)
def _stargmin_sc(x_hbm, out_hbm, chunk_v, out_v, stage_v, all_v, shared_v,
                 sem_a, sem_b):
    sid = lax.axis_index("s")
    lanes = lax.iota(jnp.int32, L)
    base = sid * SCAN

    in_a = pltpu.async_copy(x_hbm.at[pl.ds(base, HALF)],
                            chunk_v.at[pl.ds(0, HALF)], sem_a)
    in_b = pltpu.async_copy(x_hbm.at[pl.ds(base + HALF, HALF)],
                            chunk_v.at[pl.ds(HALF, HALF)], sem_b)
    zeros_v = jnp.zeros((L,), jnp.float32)

    def zfill_body(j, _):
        out_v[pl.ds(j * L, L)] = zeros_v
        return 0

    lax.fori_loop(0, SCAN // L, zfill_body, 0, unroll=8)

    def scan_body(j, carry):
        vs, ts = carry
        new_vs, new_ts = [], []
        for c in range(4):
            t = j * 4 + c
            v = chunk_v[pl.ds(t * L, L)]
            take = v < vs[c]
            new_vs.append(jnp.where(take, v, vs[c]))
            new_ts.append(jnp.where(take, jnp.full((L,), 0, jnp.int32) + t,
                                    ts[c]))
        return tuple(new_vs), tuple(new_ts)

    init = (tuple(jnp.full((L,), jnp.inf, jnp.float32) for _ in range(4)),
            tuple(jnp.zeros((L,), jnp.int32) for _ in range(4)))
    in_a.wait()
    carry = lax.fori_loop(0, HALF // (4 * L), scan_body, init, unroll=4)
    in_b.wait()
    vs, ts = lax.fori_loop(HALF // (4 * L), SCAN // (4 * L), scan_body,
                           carry, unroll=4)

    def combine(av, at, bv, bt):
        better = jnp.logical_or(
            bv < av, jnp.logical_and(bv == av, bt < at))
        return jnp.where(better, bv, av), jnp.where(better, bt, at)

    v01, t01 = combine(vs[0], ts[0], vs[1], ts[1])
    v23, t23 = combine(vs[2], ts[2], vs[3], ts[3])
    vmin, tmin = combine(v01, t01, v23, t23)
    vidx = base + tmin * L + lanes

    mval = jnp.min(vmin)
    midx = jnp.min(jnp.where(vmin == mval, vidx, I32_MAX))

    stage_v[pl.ds(0, L)] = jnp.full((L,), mval, jnp.float32)
    stage_v[pl.ds(L, L)] = jnp.full((L,), midx, jnp.int32).astype(jnp.float32)
    pltpu.sync_copy(stage_v, shared_v.at[pl.ds(sid * 2 * L, 2 * L)])
    out_zero = pltpu.async_copy(out_v, out_hbm.at[pl.ds(base, SCAN)], sem_a)
    plsc.subcore_barrier()
    pltpu.sync_copy(shared_v, all_v)

    def merge_body(j, carry):
        bvals, bidxs = carry
        take = lanes == j
        return (jnp.where(take, all_v[pl.ds(j * 2 * L, L)], bvals),
                jnp.where(take, all_v[pl.ds(j * 2 * L + L, L)], bidxs))

    vals16, idxf16 = lax.fori_loop(
        0, NS, merge_body,
        (jnp.full((L,), jnp.inf, jnp.float32), jnp.zeros((L,), jnp.float32)),
        unroll=4,
    )
    idxs16 = idxf16.astype(jnp.int32)
    gmin = jnp.min(vals16)
    gidx = jnp.min(jnp.where(vals16 == gmin, idxs16, I32_MAX))

    out_zero.wait()
    local = gidx - base
    owner = jnp.logical_and(local >= 0, local < SCAN)

    @pl.when(owner)
    def _():
        jhot = local // L
        lhot = local - jhot * L
        stage_v[pl.ds(0, L)] = jnp.where(lanes == lhot, 1.0, 0.0).astype(
            jnp.float32)
        pltpu.sync_copy(stage_v.at[pl.ds(0, L)],
                        out_hbm.at[pl.ds(base + jhot * L, L)])


def kernel(x):
    return _stargmin_sc(x.reshape(N)).reshape(1, N)

# --- scband reference (transcript-rebuilt; emitter-appended) ---
"""Pipeline reference for scband-stargmin-44478681317436 (READ-ONLY COPY).

The authoritative reference and input builder live on the scoring server;
editing this copy changes nothing except your own understanding.
"""

import jax, jax.numpy as jnp
import numpy as np

TEMP = 0.1

def setup_inputs(seed: int = 0) -> dict:
    key = jax.random.key(seed)
    x = jax.random.normal(key, (1, 32768), dtype=jnp.float32)
    return {"x": x}

def reference(x):
    # Faithful translation of STargmin.forward (straight-through argmin):
    # F.one_hot(torch.argmin(x), num_classes=x.size(1)) - softmax(-x/temp).detach() + softmax(-x/temp)
    idx = jnp.argmin(x)  # flattened argmin, matches torch.argmin with no dim
    onehot = jax.nn.one_hot(idx, x.shape[1], dtype=x.dtype)  # shape [N]
    sm = jax.nn.softmax(-x / TEMP, axis=0)  # dim=0 softmax, matches nn.Softmax(dim=0)
    out = onehot - jax.lax.stop_gradient(sm) + sm  # broadcasts to [1, N]
    return out

if __name__ == "__main__":
    import jax
    _d = setup_inputs()
    print(jax.jit(kernel)(*tuple(_d.values())))

</pallas_src>

<mosaic_0001>
#map = affine_map<(d0, d1) -> (0)>
module attributes {stable_mosaic.version = 14 : i64} {
  func.func @_stargmin_sc(%arg0: i32, %arg1: i32, %arg2: memref<32768xf32, #tpu.memory_space<hbm>>, %arg3: memref<32768xf32, #tpu.memory_space<hbm>>, %arg4: memref<2048xf32, #tpu.memory_space<vmem>>, %arg5: memref<2048xf32, #tpu.memory_space<vmem>>, %arg6: memref<32xf32, #tpu.memory_space<vmem>>, %arg7: memref<512xf32, #tpu.memory_space<vmem>>, %arg8: memref<512xf32, #tpu.memory_space<vmem_shared>>, %arg9: memref<!tpu.dma_semaphore, #tpu.memory_space<semaphore_mem>>, %arg10: memref<!tpu.dma_semaphore, #tpu.memory_space<semaphore_mem>>) attributes {dimension_semantics = [#tpu.dimension_semantics<core_parallel>, #tpu.dimension_semantics<subcore_parallel>], iteration_bounds = array<i64: 1, 16>, scalar_prefetch = 0 : i64, scratch_operands = 7 : i64, tpu.core_type = #tpu.core_type<sc_vector_subcore>, window_params = [{transform_indices = #map}, {transform_indices = #map}]} {
    %iota3A = tpu.iota {dimensions = array<i32: 0>} : vector<16xi32>
    %mul3A = arith.constant 2048 : i32
    %mul3A_0 = arith.muli %arg1, %mul3A : i32
    %dma_start3A = arith.constant 0 : i32
    %dma_start3A_1 = tpu.memref_slice %arg4[%dma_start3A] : memref<2048xf32, #tpu.memory_space<vmem>> -> memref<1024xf32, #tpu.memory_space<vmem>>
    %dma_start3A_2 = tpu.memref_slice %arg2[%mul3A_0] : memref<32768xf32, #tpu.memory_space<hbm>> -> memref<1024xf32, #tpu.memory_space<hbm>>
    %dma_start3A_3 = arith.constant 0 : i32
    %dma_start3A_4 = tpu.memref_slice %arg4[%dma_start3A_3] : memref<2048xf32, #tpu.memory_space<vmem>> -> memref<1024xf32, #tpu.memory_space<vmem>>
    %dma_start3A_5 = tpu.memref_slice %arg2[%mul3A_0] : memref<32768xf32, #tpu.memory_space<hbm>> -> memref<1024xf32, #tpu.memory_space<hbm>>
    tpu.enqueue_dma source(%dma_start3A_5 : memref<1024xf32, #tpu.memory_space<hbm>>) target(%dma_start3A_4 : memref<1024xf32, #tpu.memory_space<vmem>>) target_semaphore(%arg9 : memref<!tpu.dma_semaphore, #tpu.memory_space<semaphore_mem>>)
    %add3A = arith.constant 1024 : i32
    %add3A_6 = arith.addi %mul3A_0, %add3A : i32
    %dma_start3A_7 = arith.constant 1024 : i32
    %dma_start3A_8 = tpu.memref_slice %arg4[%dma_start3A_7] : memref<2048xf32, #tpu.memory_space<vmem>> -> memref<1024xf32, #tpu.memory_space<vmem>>
    %dma_start3A_9 = tpu.memref_slice %arg2[%add3A_6] : memref<32768xf32, #tpu.memory_space<hbm>> -> memref<1024xf32, #tpu.memory_space<hbm>>
    %dma_start3A_10 = arith.constant 1024 : i32
    %dma_start3A_11 = tpu.memref_slice %arg4[%dma_start3A_10] : memref<2048xf32, #tpu.memory_space<vmem>> -> memref<1024xf32, #tpu.memory_space<vmem>>
    %dma_start3A_12 = tpu.memref_slice %arg2[%add3A_6] : memref<32768xf32, #tpu.memory_space<hbm>> -> memref<1024xf32, #tpu.memory_space<hbm>>
    tpu.enqueue_dma source(%dma_start3A_12 : memref<1024xf32, #tpu.memory_space<hbm>>) target(%dma_start3A_11 : memref<1024xf32, #tpu.memory_space<vmem>>) target_semaphore(%arg10 : memref<!tpu.dma_semaphore, #tpu.memory_space<semaphore_mem>>)
    %broadcast_in_dim3A = arith.constant 0.000000e+00 : f32
    %broadcast_in_dim3A_13 = vector.broadcast %broadcast_in_dim3A : f32 to vector<16xf32>
    %scan3A = arith.constant 0 : i32
    %scan3A_14 = arith.constant 0 : i32
    %scan3A_15 = arith.constant 128 : i32
    %scan3A_16 = arith.addi %scan3A_14, %scan3A_15 : i32
    %scan3A_17 = arith.constant 8 : i32
    %scan3A_18 = scf.for %scan3A_143 = %scan3A_14 to %scan3A_16 step %scan3A_17 iter_args(%scan3A_144 = %scan3A) -> (i32)  : i32 {
      %mul3A_145 = arith.constant 16 : i32
      %mul3A_146 = arith.muli %scan3A_143, %mul3A_145 : i32
      %swap3A_147 = arith.index_cast %mul3A_146 : i32 to index
      %swap3A_148 = tpu.vector_load %arg5[%swap3A_147] {strides = array<i32>} : memref<2048xf32, #tpu.memory_space<vmem>>, vector<16xf32>,
      tpu.vector_store %arg5[%swap3A_147], %broadcast_in_dim3A_13 {strides = array<i32>} : memref<2048xf32, #tpu.memory_space<vmem>>, vector<16xf32>,
      %scan3A_149 = arith.constant 0 : i32
      %scan3A_150 = arith.constant 1 : i32
      %scan3A_151 = arith.addi %scan3A_143, %scan3A_150 : i32
      %mul3A_152 = arith.constant 16 : i32
      %mul3A_153 = arith.muli %scan3A_151, %mul3A_152 : i32
      %swap3A_154 = arith.index_cast %mul3A_153 : i32 to index
      %swap3A_155 = tpu.vector_load %arg5[%swap3A_154] {strides = array<i32>} : memref<2048xf32, #tpu.memory_space<vmem>>, vector<16xf32>,
      tpu.vector_store %arg5[%swap3A_154], %broadcast_in_dim3A_13 {strides = array<i32>} : memref<2048xf32, #tpu.memory_space<vmem>>, vector<16xf32>,
      %scan3A_156 = arith.constant 0 : i32
      %scan3A_157 = arith.constant 2 : i32
      %scan3A_158 = arith.addi %scan3A_143, %scan3A_157 : i32
      %mul3A_159 = arith.constant 16 : i32
      %mul3A_160 = arith.muli %scan3A_158, %mul3A_159 : i32
      %swap3A_161 = arith.index_cast %mul3A_160 : i32 to index
      %swap3A_162 = tpu.vector_load %arg5[%swap3A_161] {strides = array<i32>} : memref<2048xf32, #tpu.memory_space<vmem>>, vector<16xf32>,
      tpu.vector_store %arg5[%swap3A_161], %broadcast_in_dim3A_13 {strides = array<i32>} : memref<2048xf32, #tpu.memory_space<vmem>>, vector<16xf32>,
      %scan3A_163 = arith.constant 0 : i32
      %scan3A_164 = arith.constant 3 : i32
      %scan3A_165 = arith.addi %scan3A_143, %scan3A_164 : i32
      %mul3A_166 = arith.constant 16 : i32
      %mul3A_167 = arith.muli %scan3A_165, %mul3A_166 : i32
      %swap3A_168 = arith.index_cast %mul3A_167 : i32 to index
      %swap3A_169 = tpu.vector_load %arg5[%swap3A_168] {strides = array<i32>} : memref<2048xf32, #tpu.memory_space<vmem>>, vector<16xf32>,
      tpu.vector_store %arg5[%swap3A_168], %broadcast_in_dim3A_13 {strides = array<i32>} : memref<2048xf32, #tpu.memory_space<vmem>>, vector<16xf32>,
      %scan3A_170 = arith.constant 0 : i32
      %scan3A_171 = arith.constant 4 : i32
      %scan3A_172 = arith.addi %scan3A_143, %scan3A_171 : i32
      %mul3A_173 = arith.constant 16 : i32
      %mul3A_174 = arith.muli %scan3A_172, %mul3A_173 : i32
      %swap3A_175 = arith.index_cast %mul3A_174 : i32 to index
      %swap3A_176 = tpu.vector_load %arg5[%swap3A_175] {strides = array<i32>} : memref<2048xf32, #tpu.memory_space<vmem>>, vector<16xf32>,
      tpu.vector_store %arg5[%swap3A_175], %broadcast_in_dim3A_13 {strides = array<i32>} : memref<2048xf32, #tpu.memory_space<vmem>>, vector<16xf32>,
      %scan3A_177 = arith.constant 0 : i32
      %scan3A_178 = arith.constant 5 : i32
      %scan3A_179 = arith.addi %scan3A_143, %scan3A_178 : i32
      %mul3A_180 = arith.constant 16 : i32
      %mul3A_181 = arith.muli %scan3A_179, %mul3A_180 : i32
      %swap3A_182 = arith.index_cast %mul3A_181 : i32 to index
      %swap3A_183 = tpu.vector_load %arg5[%swap3A_182] {strides = array<i32>} : memref<2048xf32, #tpu.memory_space<vmem>>, vector<16xf32>,
      tpu.vector_store %arg5[%swap3A_182], %broadcast_in_dim3A_13 {strides = array<i32>} : memref<2048xf32, #tpu.memory_space<vmem>>, vector<16xf32>,
      %scan3A_184 = arith.constant 0 : i32
      %scan3A_185 = arith.constant 6 : i32
      %scan3A_186 = arith.addi %scan3A_143, %scan3A_185 : i32
      %mul3A_187 = arith.constant 16 : i32
      %mul3A_188 = arith.muli %scan3A_186, %mul3A_187 : i32
      %swap3A_189 = arith.index_cast %mul3A_188 : i32 to index
      %swap3A_190 = tpu.vector_load %arg5[%swap3A_189] {strides = array<i32>} : memref<2048xf32, #tpu.memory_space<vmem>>, vector<16xf32>,
      tpu.vector_store %arg5[%swap3A_189], %broadcast_in_dim3A_13 {strides = array<i32>} : memref<2048xf32, #tpu.memory_space<vmem>>, vector<16xf32>,
      %scan3A_191 = arith.constant 0 : i32
      %scan3A_192 = arith.constant 7 : i32
      %scan3A_193 = arith.addi %scan3A_143, %scan3A_192 : i32
      %mul3A_194 = arith.constant 16 : i32
      %mul3A_195 = arith.muli %scan3A_193, %mul3A_194 : i32
      %swap3A_196 = arith.index_cast %mul3A_195 : i32 to index
      %swap3A_197 = tpu.vector_load %arg5[%swap3A_196] {strides = array<i32>} : memref<2048xf32, #tpu.memory_space<vmem>>, vector<16xf32>,
      tpu.vector_store %arg5[%swap3A_196], %broadcast_in_dim3A_13 {strides = array<i32>} : memref<2048xf32, #tpu.memory_space<vmem>>, vector<16xf32>,
      %scan3A_198 = arith.constant 0 : i32
      scf.yield %scan3A_198 : i32
    }
    %scan3A_19 = arith.constant 128 : i32
    %broadcast_in_dim3A_20 = arith.constant 0x7F800000 : f32
    %broadcast_in_dim3A_21 = vector.broadcast %broadcast_in_dim3A_20 : f32 to vector<16xf32>
    %broadcast_in_dim3A_22 = arith.constant 0x7F800000 : f32
    %broadcast_in_dim3A_23 = vector.broadcast %broadcast_in_dim3A_22 : f32 to vector<16xf32>
    %broadcast_in_dim3A_24 = arith.constant 0x7F800000 : f32
    %broadcast_in_dim3A_25 = vector.broadcast %broadcast_in_dim3A_24 : f32 to vector<16xf32>
    %broadcast_in_dim3A_26 = arith.constant 0x7F800000 : f32
    %broadcast_in_dim3A_27 = vector.broadcast %broadcast_in_dim3A_26 : f32 to vector<16xf32>
    %broadcast_in_dim3A_28 = arith.constant 0 : i32
    %broadcast_in_dim3A_29 = vector.broadcast %broadcast_in_dim3A_28 : i32 to vector<16xi32>
    %broadcast_in_dim3A_30 = arith.constant 0 : i32
    %broadcast_in_dim3A_31 = vector.broadcast %broadcast_in_dim3A_30 : i32 to vector<16xi32>
    %broadcast_in_dim3A_32 = arith.constant 0 : i32
    %broadcast_in_dim3A_33 = vector.broadcast %broadcast_in_dim3A_32 : i32 to vector<16xi32>
    %broadcast_in_dim3A_34 = arith.constant 0 : i32
    %broadcast_in_dim3A_35 = vector.broadcast %broadcast_in_dim3A_34 : i32 to vector<16xi32>
    %dma_wait3A = arith.constant 0 : i32
    %dma_wait3A_36 = tpu.memref_slice %arg4[%dma_wait3A] : memref<2048xf32, #tpu.memory_space<vmem>> -> memref<1024xf32, #tpu.memory_space<vmem>>
    %dma_wait3A_37 = tpu.memref_slice %arg2[%mul3A_0] : memref<32768xf32, #tpu.memory_space<hbm>> -> memref<1024xf32, #tpu.memory_space<hbm>>
    %dma_wait3A_38 = arith.constant 0 : i32
    %dma_wait3A_39 = tpu.memref_slice %arg4[%dma_wait3A_38] : memref<2048xf32, #tpu.memory_space<vmem>> -> memref<1024xf32, #tpu.memory_space<vmem>>
    %dma_wait3A_40 = tpu.memref_slice %arg2[%mul3A_0] : memref<32768xf32, #tpu.memory_space<hbm>> -> memref<1024xf32, #tpu.memory_space<hbm>>
    tpu.wait_dma2 semaphore(%arg9 : memref<!tpu.dma_semaphore, #tpu.memory_space<semaphore_mem>>) src(%dma_wait3A_40 : memref<1024xf32, #tpu.memory_space<hbm>>) dst(%dma_wait3A_39 : memref<1024xf32, #tpu.memory_space<vmem>>)
    %scan3A_41 = arith.constant 0 : i32
    %scan3A_42 = arith.constant 16 : i32
    %scan3A_43 = arith.addi %scan3A_41, %scan3A_42 : i32
    %scan3A_44 = arith.constant 4 : i32
    %scan3A_45:8 = scf.for %scan3A_143 = %scan3A_41 to %scan3A_43 step %scan3A_44 iter_args(%scan3A_144 = %broadcast_in_dim3A_21, %scan3A_145 = %broadcast_in_dim3A_23, %scan3A_146 = %broadcast_in_dim3A_25, %scan3A_147 = %broadcast_in_dim3A_27, %scan3A_148 = %broadcast_in_dim3A_29, %scan3A_149 = %broadcast_in_dim3A_31, %scan3A_150 = %broadcast_in_dim3A_33, %scan3A_151 = %broadcast_in_dim3A_35) -> (vector<16xf32>, vector<16xf32>, vector<16xf32>, vector<16xf32>, vector<16xi32>, vector<16xi32>, vector<16xi32>, vector<16xi32>)  : i32 {
      %mul3A_152 = arith.constant 4 : i32
      %mul3A_153 = arith.muli %scan3A_143, %mul3A_152 : i32
      %add3A_154 = arith.constant 0 : i32
      %add3A_155 = arith.addi %mul3A_153, %add3A_154 : i32
      %mul3A_156 = arith.constant 16 : i32
      %mul3A_157 = arith.muli %add3A_155, %mul3A_156 : i32
      %get3A = arith.index_cast %mul3A_157 : i32 to index
      %get3A_158 = tpu.vector_load %arg4[%get3A] {strides = array<i32>} : memref<2048xf32, #tpu.memory_space<vmem>>, vector<16xf32>,
      %lt3A_159 = arith.cmpf olt, %get3A_158, %scan3A_144 : vector<16xf32>
      %select_n3A_160 = arith.select %lt3A_159, %get3A_158, %scan3A_144 : vector<16xi1>, vector<16xf32>
      %broadcast_in_dim3A_161 = arith.constant 0 : i32
      %broadcast_in_dim3A_162 = vector.broadcast %broadcast_in_dim3A_161 : i32 to vector<16xi32>
      %add3A_163 = vector.broadcast %add3A_155 : i32 to vector<16xi32>
      %add3A_164 = arith.addi %broadcast_in_dim3A_162, %add3A_163 : vector<16xi32>
      %select_n3A_165 = arith.select %lt3A_159, %add3A_164, %scan3A_148 : vector<16xi1>, vector<16xi32>
      %mul3A_166 = arith.constant 4 : i32
      %mul3A_167 = arith.muli %scan3A_143, %mul3A_166 : i32
      %add3A_168 = arith.constant 1 : i32
      %add3A_169 = arith.addi %mul3A_167, %add3A_168 : i32
      %mul3A_170 = arith.constant 16 : i32
      %mul3A_171 = arith.muli %add3A_169, %mul3A_170 : i32
      %get3A_172 = arith.index_cast %mul3A_171 : i32 to index
      %get3A_173 = tpu.vector_load %arg4[%get3A_172] {strides = array<i32>} : memref<2048xf32, #tpu.memory_space<vmem>>, vector<16xf32>,
      %lt3A_174 = arith.cmpf olt, %get3A_173, %scan3A_145 : vector<16xf32>
      %select_n3A_175 = arith.select %lt3A_174, %get3A_173, %scan3A_145 : vector<16xi1>, vector<16xf32>
      %broadcast_in_dim3A_176 = arith.constant 0 : i32
      %broadcast_in_dim3A_177 = vector.broadcast %broadcast_in_dim3A_176 : i32 to vector<16xi32>
      %add3A_178 = vector.broadcast %add3A_169 : i32 to vector<16xi32>
      %add3A_179 = arith.addi %broadcast_in_dim3A_177, %add3A_178 : vector<16xi32>
      %select_n3A_180 = arith.select %lt3A_174, %add3A_179, %scan3A_149 : vector<16xi1>, vector<16xi32>
      %mul3A_181 = arith.constant 4 : i32
      %mul3A_182 = arith.muli %scan3A_143, %mul3A_181 : i32
      %add3A_183 = arith.constant 2 : i32
      %add3A_184 = arith.addi %mul3A_182, %add3A_183 : i32
      %mul3A_185 = arith.constant 16 : i32
      %mul3A_186 = arith.muli %add3A_184, %mul3A_185 : i32
      %get3A_187 = arith.index_cast %mul3A_186 : i32 to index
      %get3A_188 = tpu.vector_load %arg4[%get3A_187] {strides = array<i32>} : memref<2048xf32, #tpu.memory_space<vmem>>, vector<16xf32>,
      %lt3A_189 = arith.cmpf olt, %get3A_188, %scan3A_146 : vector<16xf32>
      %select_n3A_190 = arith.select %lt3A_189, %get3A_188, %scan3A_146 : vector<16xi1>, vector<16xf32>
      %broadcast_in_dim3A_191 = arith.constant 0 : i32
      %broadcast_in_dim3A_192 = vector.broadcast %broadcast_in_dim3A_191 : i32 to vector<16xi32>
      %add3A_193 = vector.broadcast %add3A_184 : i32 to vector<16xi32>
      %add3A_194 = arith.addi %broadcast_in_dim3A_192, %add3A_193 : vector<16xi32>
      %select_n3A_195 = arith.select %lt3A_189, %add3A_194, %scan3A_150 : vector<16xi1>, vector<16xi32>
      %mul3A_196 = arith.constant 4 : i32
      %mul3A_197 = arith.muli %scan3A_143, %mul3A_196 : i32
      %add3A_198 = arith.constant 3 : i32
      %add3A_199 = arith.addi %mul3A_197, %add3A_198 : i32
      %mul3A_200 = arith.constant 16 : i32
      %mul3A_201 = arith.muli %add3A_199, %mul3A_200 : i32
      %get3A_202 = arith.index_cast %mul3A_201 : i32 to index
      %get3A_203 = tpu.vector_load %arg4[%get3A_202] {strides = array<i32>} : memref<2048xf32, #tpu.memory_space<vmem>>, vector<16xf32>,
      %lt3A_204 = arith.cmpf olt, %get3A_203, %scan3A_147 : vector<16xf32>
      %select_n3A_205 = arith.select %lt3A_204, %get3A_203, %scan3A_147 : vector<16xi1>, vector<16xf32>
      %broadcast_in_dim3A_206 = arith.constant 0 : i32
      %broadcast_in_dim3A_207 = vector.broadcast %broadcast_in_dim3A_206 : i32 to vector<16xi32>
      %add3A_208 = vector.broadcast %add3A_199 : i32 to vector<16xi32>
      %add3A_209 = arith.addi %broadcast_in_dim3A_207, %add3A_208 : vector<16xi32>
      %select_n3A_210 = arith.select %lt3A_204, %add3A_209, %scan3A_151 : vector<16xi1>, vector<16xi32>
      %scan3A_211 = arith.constant 1 : i32
      %scan3A_212 = arith.addi %scan3A_143, %scan3A_211 : i32
      %mul3A_213 = arith.constant 4 : i32
      %mul3A_214 = arith.muli %scan3A_212, %mul3A_213 : i32
      %add3A_215 = arith.constant 0 : i32
      %add3A_216 = arith.addi %mul3A_214, %add3A_215 : i32
      %mul3A_217 = arith.constant 16 : i32
      %mul3A_218 = arith.muli %add3A_216, %mul3A_217 : i32
      %get3A_219 = arith.index_cast %mul3A_218 : i32 to index
      %get3A_220 = tpu.vector_load %arg4[%get3A_219] {strides = array<i32>} : memref<2048xf32, #tpu.memory_space<vmem>>, vector<16xf32>,
      %lt3A_221 = arith.cmpf olt, %get3A_220, %select_n3A_160 : vector<16xf32>
      %select_n3A_222 = arith.select %lt3A_221, %get3A_220, %select_n3A_160 : vector<16xi1>, vector<16xf32>
      %broadcast_in_dim3A_223 = arith.constant 0 : i32
      %broadcast_in_dim3A_224 = vector.broadcast %broadcast_in_dim3A_223 : i32 to vector<16xi32>
      %add3A_225 = vector.broadcast %add3A_216 : i32 to vector<16xi32>
      %add3A_226 = arith.addi %broadcast_in_dim3A_224, %add3A_225 : vector<16xi32>
      %select_n3A_227 = arith.select %lt3A_221, %add3A_226, %select_n3A_165 : vector<16xi1>, vector<16xi32>
      %mul3A_228 = arith.constant 4 : i32
      %mul3A_229 = arith.muli %scan3A_212, %mul3A_228 : i32
      %add3A_230 = arith.constant 1 : i32
      %add3A_231 = arith.addi %mul3A_229, %add3A_230 : i32
      %mul3A_232 = arith.constant 16 : i32
      %mul3A_233 = arith.muli %add3A_231, %mul3A_232 : i32
      %get3A_234 = arith.index_cast %mul3A_233 : i32 to index
      %get3A_235 = tpu.vector_load %arg4[%get3A_234] {strides = array<i32>} : memref<2048xf32, #tpu.memory_space<vmem>>, vector<16xf32>,
      %lt3A_236 = arith.cmpf olt, %get3A_235, %select_n3A_175 : vector<16xf32>
      %select_n3A_237 = arith.select %lt3A_236, %get3A_235, %select_n3A_175 : vector<16xi1>, vector<16xf32>
      %broadcast_in_dim3A_238 = arith.constant 0 : i32
      %broadcast_in_dim3A_239 = vector.broadcast %broadcast_in_dim3A_238 : i32 to vector<16xi32>
      %add3A_240 = vector.broadcast %add3A_231 : i32 to vector<16xi32>
      %add3A_241 = arith.addi %broadcast_in_dim3A_239, %add3A_240 : vector<16xi32>
      %select_n3A_242 = arith.select %lt3A_236, %add3A_241, %select_n3A_180 : vector<16xi1>, vector<16xi32>
      %mul3A_243 = arith.constant 4 : i32
      %mul3A_244 = arith.muli %scan3A_212, %mul3A_243 : i32
      %add3A_245 = arith.constant 2 : i32
      %add3A_246 = arith.addi %mul3A_244, %add3A_245 : i32
      %mul3A_247 = arith.constant 16 : i32
      %mul3A_248 = arith.muli %add3A_246, %mul3A_247 : i32
      %get3A_249 = arith.index_cast %mul3A_248 : i32 to index
      %get3A_250 = tpu.vector_load %arg4[%get3A_249] {strides = array<i32>} : memref<2048xf32, #tpu.memory_space<vmem>>, vector<16xf32>,
      %lt3A_251 = arith.cmpf olt, %get3A_250, %select_n3A_190 : vector<16xf32>
      %select_n3A_252 = arith.select %lt3A_251, %get3A_250, %select_n3A_190 : vector<16xi1>, vector<16xf32>
      %broadcast_in_dim3A_253 = arith.constant 0 : i32
      %broadcast_in_dim3A_254 = vector.broadcast %broadcast_in_dim3A_253 : i32 to vector<16xi32>
      %add3A_255 = vector.broadcast %add3A_246 : i32 to vector<16xi32>
      %add3A_256 = arith.addi %broadcast_in_dim3A_254, %add3A_255 : vector<16xi32>
      %select_n3A_257 = arith.select %lt3A_251, %add3A_256, %select_n3A_195 : vector<16xi1>, vector<16xi32>
      %mul3A_258 = arith.constant 4 : i32
      %mul3A_259 = arith.muli %scan3A_212, %mul3A_258 : i32
      %add3A_260 = arith.constant 3 : i32
      %add3A_261 = arith.addi %mul3A_259, %add3A_260 : i32
      %mul3A_262 = arith.constant 16 : i32
      %mul3A_263 = arith.muli %add3A_261, %mul3A_262 : i32
      %get3A_264 = arith.index_cast %mul3A_263 : i32 to index
      %get3A_265 = tpu.vector_load %arg4[%get3A_264] {strides = array<i32>} : memref<2048xf32, #tpu.memory_space<vmem>>, vector<16xf32>,
      %lt3A_266 = arith.cmpf olt, %get3A_265, %select_n3A_205 : vector<16xf32>
      %select_n3A_267 = arith.select %lt3A_266, %get3A_265, %select_n3A_205 : vector<16xi1>, vector<16xf32>
      %broadcast_in_dim3A_268 = arith.constant 0 : i32
      %broadcast_in_dim3A_269 = vector.broadcast %broadcast_in_dim3A_268 : i32 to vector<16xi32>
      %add3A_270 = vector.broadcast %add3A_261 : i32 to vector<16xi32>
      %add3A_271 = arith.addi %broadcast_in_dim3A_269, %add3A_270 : vector<16xi32>
      %select_n3A_272 = arith.select %lt3A_266, %add3A_271, %select_n3A_210 : vector<16xi1>, vector<16xi32>
      %scan3A_273 = arith.constant 2 : i32
      %scan3A_274 = arith.addi %scan3A_143, %scan3A_273 : i32
      %mul3A_275 = arith.constant 4 : i32
      %mul3A_276 = arith.muli %scan3A_274, %mul3A_275 : i32
      %add3A_277 = arith.constant 0 : i32
      %add3A_278 = arith.addi %mul3A_276, %add3A_277 : i32
      %mul3A_279 = arith.constant 16 : i32
      %mul3A_280 = arith.muli %add3A_278, %mul3A_279 : i32
      %get3A_281 = arith.index_cast %mul3A_280 : i32 to index
      %get3A_282 = tpu.vector_load %arg4[%get3A_281] {strides = array<i32>} : memref<2048xf32, #tpu.memory_space<vmem>>, vector<16xf32>,
      %lt3A_283 = arith.cmpf olt, %get3A_282, %select_n3A_222 : vector<16xf32>
      %select_n3A_284 = arith.select %lt3A_283, %get3A_282, %select_n3A_222 : vector<16xi1>, vector<16xf32>
      %broadcast_in_dim3A_285 = arith.constant 0 : i32
      %broadcast_in_dim3A_286 = vector.broadcast %broadcast_in_dim3A_285 : i32 to vector<16xi32>
      %add3A_287 = vector.broadcast %add3A_278 : i32 to vector<16xi32>
      %add3A_288 = arith.addi %broadcast_in_dim3A_286, %add3A_287 : vector<16xi32>
      %select_n3A_289 = arith.select %lt3A_283, %add3A_288, %select_n3A_227 : vector<16xi1>, vector<16xi32>
      %mul3A_290 = arith.constant 4 : i32
      %mul3A_291 = arith.muli %scan3A_274, %mul3A_290 : i32
      %add3A_292 = arith.constant 1 : i32
      %add3A_293 = arith.addi %mul3A_291, %add3A_292 : i32
      %mul3A_294 = arith.constant 16 : i32
      %mul3A_295 = arith.muli %add3A_293, %mul3A_294 : i32
      %get3A_296 = arith.index_cast %mul3A_295 : i32 to index
      %get3A_297 = tpu.vector_load %arg4[%get3A_296] {strides = array<i32>} : memref<2048xf32, #tpu.memory_space<vmem>>, vector<16xf32>,
      %lt3A_298 = arith.cmpf olt, %get3A_297, %select_n3A_237 : vector<16xf32>
      %select_n3A_299 = arith.select %lt3A_298, %get3A_297, %select_n3A_237 : vector<16xi1>, vector<16xf32>
      %broadcast_in_dim3A_300 = arith.constant 0 : i32
      %broadcast_in_dim3A_301 = vector.broadcast %broadcast_in_dim3A_300 : i32 to vector<16xi32>
      %add3A_302 = vector.broadcast %add3A_293 : i32 to vector<16xi32>
      %add3A_303 = arith.addi %broadcast_in_dim3A_301, %add3A_302 : vector<16xi32>
      %select_n3A_304 = arith.select %lt3A_298, %add3A_303, %select_n3A_242 : vector<16xi1>, vector<16xi32>
      %mul3A_305 = arith.constant 4 : i32
      %mul3A_306 = arith.muli %scan3A_274, %mul3A_305 : i32
      %add3A_307 = arith.constant 2 : i32
      %add3A_308 = arith.addi %mul3A_306, %add3A_307 : i32
      %mul3A_309 = arith.constant 16 : i32
      %mul3A_310 = arith.muli %add3A_308, %mul3A_309 : i32
      %get3A_311 = arith.index_cast %mul3A_310 : i32 to index
      %get3A_312 = tpu.vector_load %arg4[%get3A_311] {strides = array<i32>} : memref<2048xf32, #tpu.memory_space<vmem>>, vector<16xf32>,
      %lt3A_313 = arith.cmpf olt, %get3A_312, %select_n3A_252 : vector<16xf32>
      %select_n3A_314 = arith.select %lt3A_313, %get3A_312, %select_n3A_252 : vector<16xi1>, vector<16xf32>
      %broadcast_in_dim3A_315 = arith.constant 0 : i32
      %broadcast_in_dim3A_316 = vector.broadcast %broadcast_in_dim3A_315 : i32 to vector<16xi32>
      %add3A_317 = vector.broadcast %add3A_308 : i32 to vector<16xi32>
      %add3A_318 = arith.addi %broadcast_in_dim3A_316, %add3A_317 : vector<16xi32>
      %select_n3A_319 = arith.select %lt3A_313, %add3A_318, %select_n3A_257 : vector<16xi1>, vector<16xi32>
      %mul3A_320 = arith.constant 4 : i32
      %mul3A_321 = arith.muli %scan3A_274, %mul3A_320 : i32
      %add3A_322 = arith.constant 3 : i32
      %add3A_323 = arith.addi %mul3A_321, %add3A_322 : i32
      %mul3A_324 = arith.constant 16 : i32
      %mul3A_325 = arith.muli %add3A_323, %mul3A_324 : i32
      %get3A_326 = arith.index_cast %mul3A_325 : i32 to index
      %get3A_327 = tpu.vector_load %arg4[%get3A_326] {strides = array<i32>} : memref<2048xf32, #tpu.memory_space<vmem>>, vector<16xf32>,
      %lt3A_328 = arith.cmpf olt, %get3A_327, %select_n3A_267 : vector<16xf32>
      %select_n3A_329 = arith.select %lt3A_328, %get3A_327, %select_n3A_267 : vector<16xi1>, vector<16xf32>
      %broadcast_in_dim3A_330 = arith.constant 0 : i32
      %broadcast_in_dim3A_331 = vector.broadcast %broadcast_in_dim3A_330 : i32 to vector<16xi32>
      %add3A_332 = vector.broadcast %add3A_323 : i32 to vector<16xi32>
      %add3A_333 = arith.addi %broadcast_in_dim3A_331, %add3A_332 : vector<16xi32>
      %select_n3A_334 = arith.select %lt3A_328, %add3A_333, %select_n3A_272 : vector<16xi1>, vector<16xi32>
      %scan3A_335 = arith.constant 3 : i32
      %scan3A_336 = arith.addi %scan3A_143, %scan3A_335 : i32
      %mul3A_337 = arith.constant 4 : i32
      %mul3A_338 = arith.muli %scan3A_336, %mul3A_337 : i32
      %add3A_339 = arith.constant 0 : i32
      %add3A_340 = arith.addi %mul3A_338, %add3A_339 : i32
      %mul3A_341 = arith.constant 16 : i32
      %mul3A_342 = arith.muli %add3A_340, %mul3A_341 : i32
      %get3A_343 = arith.index_cast %mul3A_342 : i32 to index
      %get3A_344 = tpu.vector_load %arg4[%get3A_343] {strides = array<i32>} : memref<2048xf32, #tpu.memory_space<vmem>>, vector<16xf32>,
      %lt3A_345 = arith.cmpf olt, %get3A_344, %select_n3A_284 : vector<16xf32>
      %select_n3A_346 = arith.select %lt3A_345, %get3A_344, %select_n3A_284 : vector<16xi1>, vector<16xf32>
      %broadcast_in_dim3A_347 = arith.constant 0 : i32
      %broadcast_in_dim3A_348 = vector.broadcast %broadcast_in_dim3A_347 : i32 to vector<16xi32>
      %add3A_349 = vector.broadcast %add3A_340 : i32 to vector<16xi32>
      %add3A_350 = arith.addi %broadcast_in_dim3A_348, %add3A_349 : vector<16xi32>
      %select_n3A_351 = arith.select %lt3A_345, %add3A_350, %select_n3A_289 : vector<16xi1>, vector<16xi32>
      %mul3A_352 = arith.constant 4 : i32
      %mul3A_353 = arith.muli %scan3A_336, %mul3A_352 : i32
      %add3A_354 = arith.constant 1 : i32
      %add3A_355 = arith.addi %mul3A_353, %add3A_354 : i32
      %mul3A_356 = arith.constant 16 : i32
      %mul3A_357 = arith.muli %add3A_355, %mul3A_356 : i32
      %get3A_358 = arith.index_cast %mul3A_357 : i32 to index
      %get3A_359 = tpu.vector_load %arg4[%get3A_358] {strides = array<i32>} : memref<2048xf32, #tpu.memory_space<vmem>>, vector<16xf32>,
      %lt3A_360 = arith.cmpf olt, %get3A_359, %select_n3A_299 : vector<16xf32>
      %select_n3A_361 = arith.select %lt3A_360, %get3A_359, %select_n3A_299 : vector<16xi1>, vector<16xf32>
      %broadcast_in_dim3A_362 = arith.constant 0 : i32
      %broadcast_in_dim3A_363 = vector.broadcast %broadcast_in_dim3A_362 : i32 to vector<16xi32>
      %add3A_364 = vector.broadcast %add3A_355 : i32 to vector<16xi32>
      %add3A_365 = arith.addi %broadcast_in_dim3A_363, %add3A_364 : vector<16xi32>
      %select_n3A_366 = arith.select %lt3A_360, %add3A_365, %select_n3A_304 : vector<16xi1>, vector<16xi32>
      %mul3A_367 = arith.constant 4 : i32
      %mul3A_368 = arith.muli %scan3A_336, %mul3A_367 : i32
      %add3A_369 = arith.constant 2 : i32
      %add3A_370 = arith.addi %mul3A_368, %add3A_369 : i32
      %mul3A_371 = arith.constant 16 : i32
      %mul3A_372 = arith.muli %add3A_370, %mul3A_371 : i32
      %get3A_373 = arith.index_cast %mul3A_372 : i32 to index
      %get3A_374 = tpu.vector_load %arg4[%get3A_373] {strides = array<i32>} : memref<2048xf32, #tpu.memory_space<vmem>>, vector<16xf32>,
      %lt3A_375 = arith.cmpf olt, %get3A_374, %select_n3A_314 : vector<16xf32>
      %select_n3A_376 = arith.select %lt3A_375, %get3A_374, %select_n3A_314 : vector<16xi1>, vector<16xf32>
      %broadcast_in_dim3A_377 = arith.constant 0 : i32
      %broadcast_in_dim3A_378 = vector.broadcast %broadcast_in_dim3A_377 : i32 to vector<16xi32>
      %add3A_379 = vector.broadcast %add3A_370 : i32 to vector<16xi32>
      %add3A_380 = arith.addi %broadcast_in_dim3A_378, %add3A_379 : vector<16xi32>
      %select_n3A_381 = arith.select %lt3A_375, %add3A_380, %select_n3A_319 : vector<16xi1>, vector<16xi32>
      %mul3A_382 = arith.constant 4 : i32
      %mul3A_383 = arith.muli %scan3A_336, %mul3A_382 : i32
      %add3A_384 = arith.constant 3 : i32
      %add3A_385 = arith.addi %mul3A_383, %add3A_384 : i32
      %mul3A_386 = arith.constant 16 : i32
      %mul3A_387 = arith.muli %add3A_385, %mul3A_386 : i32
      %get3A_388 = arith.index_cast %mul3A_387 : i32 to index
      %get3A_389 = tpu.vector_load %arg4[%get3A_388] {strides = array<i32>} : memref<2048xf32, #tpu.memory_space<vmem>>, vector<16xf32>,
      %lt3A_390 = arith.cmpf olt, %get3A_389, %select_n3A_329 : vector<16xf32>
      %select_n3A_391 = arith.select %lt3A_390, %get3A_389, %select_n3A_329 : vector<16xi1>, vector<16xf32>
      %broadcast_in_dim3A_392 = arith.constant 0 : i32
      %broadcast_in_dim3A_393 = vector.broadcast %broadcast_in_dim3A_392 : i32 to vector<16xi32>
      %add3A_394 = vector.broadcast %add3A_385 : i32 to vector<16xi32>
      %add3A_395 = arith.addi %broadcast_in_dim3A_393, %add3A_394 : vector<16xi32>
      %select_n3A_396 = arith.select %lt3A_390, %add3A_395, %select_n3A_334 : vector<16xi1>, vector<16xi32>
      scf.yield %select_n3A_346, %select_n3A_361, %select_n3A_376, %select_n3A_391, %select_n3A_351, %select_n3A_366, %select_n3A_381, %select_n3A_396 : vector<16xf32>, vector<16xf32>, vector<16xf32>, vector<16xf32>, vector<16xi32>, vector<16xi32>, vector<16xi32>, vector<16xi32>
    }
    %scan3A_46 = arith.constant 16 : i32
    %dma_wait3A_47 = arith.constant 1024 : i32
    %dma_wait3A_48 = tpu.memref_slice %arg4[%dma_wait3A_47] : memref<2048xf32, #tpu.memory_space<vmem>> -> memref<1024xf32, #tpu.memory_space<vmem>>
    %dma_wait3A_49 = tpu.memref_slice %arg2[%add3A_6] : memref<32768xf32, #tpu.memory_space<hbm>> -> memref<1024xf32, #tpu.memory_space<hbm>>
    %dma_wait3A_50 = arith.constant 1024 : i32
    %dma_wait3A_51 = tpu.memref_slice %arg4[%dma_wait3A_50] : memref<2048xf32, #tpu.memory_space<vmem>> -> memref<1024xf32, #tpu.memory_space<vmem>>
    %dma_wait3A_52 = tpu.memref_slice %arg2[%add3A_6] : memref<32768xf32, #tpu.memory_space<hbm>> -> memref<1024xf32, #tpu.memory_space<hbm>>
    tpu.wait_dma2 semaphore(%arg10 : memref<!tpu.dma_semaphore, #tpu.memory_space<semaphore_mem>>) src(%dma_wait3A_52 : memref<1024xf32, #tpu.memory_space<hbm>>) dst(%dma_wait3A_51 : memref<1024xf32, #tpu.memory_space<vmem>>)
    %scan3A_53 = arith.constant 16 : i32
    %scan3A_54 = arith.constant 16 : i32
    %scan3A_55 = arith.addi %scan3A_53, %scan3A_54 : i32
    %scan3A_56 = arith.constant 4 : i32
    %scan3A_57:8 = scf.for %scan3A_143 = %scan3A_53 to %scan3A_55 step %scan3A_56 iter_args(%scan3A_144 = %scan3A_45#0, %scan3A_145 = %scan3A_45#1, %scan3A_146 = %scan3A_45#2, %scan3A_147 = %scan3A_45#3, %scan3A_148 = %scan3A_45#4, %scan3A_149 = %scan3A_45#5, %scan3A_150 = %scan3A_45#6, %scan3A_151 = %scan3A_45#7) -> (vector<16xf32>, vector<16xf32>, vector<16xf32>, vector<16xf32>, vector<16xi32>, vector<16xi32>, vector<16xi32>, vector<16xi32>)  : i32 {
      %mul3A_152 = arith.constant 4 : i32
      %mul3A_153 = arith.muli %scan3A_143, %mul3A_152 : i32
      %add3A_154 = arith.constant 0 : i32
      %add3A_155 = arith.addi %mul3A_153, %add3A_154 : i32
      %mul3A_156 = arith.constant 16 : i32
      %mul3A_157 = arith.muli %add3A_155, %mul3A_156 : i32
      %get3A = arith.index_cast %mul3A_157 : i32 to index
      %get3A_158 = tpu.vector_load %arg4[%get3A] {strides = array<i32>} : memref<2048xf32, #tpu.memory_space<vmem>>, vector<16xf32>,
      %lt3A_159 = arith.cmpf olt, %get3A_158, %scan3A_144 : vector<16xf32>
      %select_n3A_160 = arith.select %lt3A_159, %get3A_158, %scan3A_144 : vector<16xi1>, vector<16xf32>
      %broadcast_in_dim3A_161 = arith.constant 0 : i32
      %broadcast_in_dim3A_162 = vector.broadcast %broadcast_in_dim3A_161 : i32 to vector<16xi32>
      %add3A_163 = vector.broadcast %add3A_155 : i32 to vector<16xi32>
      %add3A_164 = arith.addi %broadcast_in_dim3A_162, %add3A_163 : vector<16xi32>
      %select_n3A_165 = arith.select %lt3A_159, %add3A_164, %scan3A_148 : vector<16xi1>, vector<16xi32>
      %mul3A_166 = arith.constant 4 : i32
      %mul3A_167 = arith.muli %scan3A_143, %mul3A_166 : i32
      %add3A_168 = arith.constant 1 : i32
      %add3A_169 = arith.addi %mul3A_167, %add3A_168 : i32
      %mul3A_170 = arith.constant 16 : i32
      %mul3A_171 = arith.muli %add3A_169, %mul3A_170 : i32
      %get3A_172 = arith.index_cast %mul3A_171 : i32 to index
      %get3A_173 = tpu.vector_load %arg4[%get3A_172] {strides = array<i32>} : memref<2048xf32, #tpu.memory_space<vmem>>, vector<16xf32>,
      %lt3A_174 = arith.cmpf olt, %get3A_173, %scan3A_145 : vector<16xf32>
      %select_n3A_175 = arith.select %lt3A_174, %get3A_173, %scan3A_145 : vector<16xi1>, vector<16xf32>
      %broadcast_in_dim3A_176 = arith.constant 0 : i32
      %broadcast_in_dim3A_177 = vector.broadcast %broadcast_in_dim3A_176 : i32 to vector<16xi32>
      %add3A_178 = vector.broadcast %add3A_169 : i32 to vector<16xi32>
      %add3A_179 = arith.addi %broadcast_in_dim3A_177, %add3A_178 : vector<16xi32>
      %select_n3A_180 = arith.select %lt3A_174, %add3A_179, %scan3A_149 : vector<16xi1>, vector<16xi32>
      %mul3A_181 = arith.constant 4 : i32
      %mul3A_182 = arith.muli %scan3A_143, %mul3A_181 : i32
      %add3A_183 = arith.constant 2 : i32
      %add3A_184 = arith.addi %mul3A_182, %add3A_183 : i32
      %mul3A_185 = arith.constant 16 : i32
      %mul3A_186 = arith.muli %add3A_184, %mul3A_185 : i32
      %get3A_187 = arith.index_cast %mul3A_186 : i32 to index
      %get3A_188 = tpu.vector_load %arg4[%get3A_187] {strides = array<i32>} : memref<2048xf32, #tpu.memory_space<vmem>>, vector<16xf32>,
      %lt3A_189 = arith.cmpf olt, %get3A_188, %scan3A_146 : vector<16xf32>
      %select_n3A_190 = arith.select %lt3A_189, %get3A_188, %scan3A_146 : vector<16xi1>, vector<16xf32>
      %broadcast_in_dim3A_191 = arith.constant 0 : i32
      %broadcast_in_dim3A_192 = vector.broadcast %broadcast_in_dim3A_191 : i32 to vector<16xi32>
      %add3A_193 = vector.broadcast %add3A_184 : i32 to vector<16xi32>
      %add3A_194 = arith.addi %broadcast_in_dim3A_192, %add3A_193 : vector<16xi32>
      %select_n3A_195 = arith.select %lt3A_189, %add3A_194, %scan3A_150 : vector<16xi1>, vector<16xi32>
      %mul3A_196 = arith.constant 4 : i32
      %mul3A_197 = arith.muli %scan3A_143, %mul3A_196 : i32
      %add3A_198 = arith.constant 3 : i32
      %add3A_199 = arith.addi %mul3A_197, %add3A_198 : i32
      %mul3A_200 = arith.constant 16 : i32
      %mul3A_201 = arith.muli %add3A_199, %mul3A_200 : i32
      %get3A_202 = arith.index_cast %mul3A_201 : i32 to index
      %get3A_203 = tpu.vector_load %arg4[%get3A_202] {strides = array<i32>} : memref<2048xf32, #tpu.memory_space<vmem>>, vector<16xf32>,
      %lt3A_204 = arith.cmpf olt, %get3A_203, %scan3A_147 : vector<16xf32>
      %select_n3A_205 = arith.select %lt3A_204, %get3A_203, %scan3A_147 : vector<16xi1>, vector<16xf32>
      %broadcast_in_dim3A_206 = arith.constant 0 : i32
      %broadcast_in_dim3A_207 = vector.broadcast %broadcast_in_dim3A_206 : i32 to vector<16xi32>
      %add3A_208 = vector.broadcast %add3A_199 : i32 to vector<16xi32>
      %add3A_209 = arith.addi %broadcast_in_dim3A_207, %add3A_208 : vector<16xi32>
      %select_n3A_210 = arith.select %lt3A_204, %add3A_209, %scan3A_151 : vector<16xi1>, vector<16xi32>
      %scan3A_211 = arith.constant 1 : i32
      %scan3A_212 = arith.addi %scan3A_143, %scan3A_211 : i32
      %mul3A_213 = arith.constant 4 : i32
      %mul3A_214 = arith.muli %scan3A_212, %mul3A_213 : i32
      %add3A_215 = arith.constant 0 : i32
      %add3A_216 = arith.addi %mul3A_214, %add3A_215 : i32
      %mul3A_217 = arith.constant 16 : i32
      %mul3A_218 = arith.muli %add3A_216, %mul3A_217 : i32
      %get3A_219 = arith.index_cast %mul3A_218 : i32 to index
      %get3A_220 = tpu.vector_load %arg4[%get3A_219] {strides = array<i32>} : memref<2048xf32, #tpu.memory_space<vmem>>, vector<16xf32>,
      %lt3A_221 = arith.cmpf olt, %get3A_220, %select_n3A_160 : vector<16xf32>
      %select_n3A_222 = arith.select %lt3A_221, %get3A_220, %select_n3A_160 : vector<16xi1>, vector<16xf32>
      %broadcast_in_dim3A_223 = arith.constant 0 : i32
      %broadcast_in_dim3A_224 = vector.broadcast %broadcast_in_dim3A_223 : i32 to vector<16xi32>
      %add3A_225 = vector.broadcast %add3A_216 : i32 to vector<16xi32>
      %add3A_226 = arith.addi %broadcast_in_dim3A_224, %add3A_225 : vector<16xi32>
      %select_n3A_227 = arith.select %lt3A_221, %add3A_226, %select_n3A_165 : vector<16xi1>, vector<16xi32>
      %mul3A_228 = arith.constant 4 : i32
      %mul3A_229 = arith.muli %scan3A_212, %mul3A_228 : i32
      %add3A_230 = arith.constant 1 : i32
      %add3A_231 = arith.addi %mul3A_229, %add3A_230 : i32
      %mul3A_232 = arith.constant 16 : i32
      %mul3A_233 = arith.muli %add3A_231, %mul3A_232 : i32
      %get3A_234 = arith.index_cast %mul3A_233 : i32 to index
      %get3A_235 = tpu.vector_load %arg4[%get3A_234] {strides = array<i32>} : memref<2048xf32, #tpu.memory_space<vmem>>, vector<16xf32>,
      %lt3A_236 = arith.cmpf olt, %get3A_235, %select_n3A_175 : vector<16xf32>
      %select_n3A_237 = arith.select %lt3A_236, %get3A_235, %select_n3A_175 : vector<16xi1>, vector<16xf32>
      %broadcast_in_dim3A_238 = arith.constant 0 : i32
      %broadcast_in_dim3A_239 = vector.broadcast %broadcast_in_dim3A_238 : i32 to vector<16xi32>
      %add3A_240 = vector.broadcast %add3A_231 : i32 to vector<16xi32>
      %add3A_241 = arith.addi %broadcast_in_dim3A_239, %add3A_240 : vector<16xi32>
      %select_n3A_242 = arith.select %lt3A_236, %add3A_241, %select_n3A_180 : vector<16xi1>, vector<16xi32>
      %mul3A_243 = arith.constant 4 : i32
      %mul3A_244 = arith.muli %scan3A_212, %mul3A_243 : i32
      %add3A_245 = arith.constant 2 : i32
      %add3A_246 = arith.addi %mul3A_244, %add3A_245 : i32
      %mul3A_247 = arith.constant 16 : i32
      %mul3A_248 = arith.muli %add3A_246, %mul3A_247 : i32
      %get3A_249 = arith.index_cast %mul3A_248 : i32 to index
      %get3A_250 = tpu.vector_load %arg4[%get3A_249] {strides = array<i32>} : memref<2048xf32, #tpu.memory_space<vmem>>, vector<16xf32>,
      %lt3A_251 = arith.cmpf olt, %get3A_250, %select_n3A_190 : vector<16xf32>
      %select_n3A_252 = arith.select %lt3A_251, %get3A_250, %select_n3A_190 : vector<16xi1>, vector<16xf32>
      %broadcast_in_dim3A_253 = arith.constant 0 : i32
      %broadcast_in_dim3A_254 = vector.broadcast %broadcast_in_dim3A_253 : i32 to vector<16xi32>
      %add3A_255 = vector.broadcast %add3A_246 : i32 to vector<16xi32>
      %add3A_256 = arith.addi %broadcast_in_dim3A_254, %add3A_255 : vector<16xi32>
      %select_n3A_257 = arith.select %lt3A_251, %add3A_256, %select_n3A_195 : vector<16xi1>, vector<16xi32>
      %mul3A_258 = arith.constant 4 : i32
      %mul3A_259 = arith.muli %scan3A_212, %mul3A_258 : i32
      %add3A_260 = arith.constant 3 : i32
      %add3A_261 = arith.addi %mul3A_259, %add3A_260 : i32
      %mul3A_262 = arith.constant 16 : i32
      %mul3A_263 = arith.muli %add3A_261, %mul3A_262 : i32
      %get3A_264 = arith.index_cast %mul3A_263 : i32 to index
      %get3A_265 = tpu.vector_load %arg4[%get3A_264] {strides = array<i32>} : memref<2048xf32, #tpu.memory_space<vmem>>, vector<16xf32>,
      %lt3A_266 = arith.cmpf olt, %get3A_265, %select_n3A_205 : vector<16xf32>
      %select_n3A_267 = arith.select %lt3A_266, %get3A_265, %select_n3A_205 : vector<16xi1>, vector<16xf32>
      %broadcast_in_dim3A_268 = arith.constant 0 : i32
      %broadcast_in_dim3A_269 = vector.broadcast %broadcast_in_dim3A_268 : i32 to vector<16xi32>
      %add3A_270 = vector.broadcast %add3A_261 : i32 to vector<16xi32>
      %add3A_271 = arith.addi %broadcast_in_dim3A_269, %add3A_270 : vector<16xi32>
      %select_n3A_272 = arith.select %lt3A_266, %add3A_271, %select_n3A_210 : vector<16xi1>, vector<16xi32>
      %scan3A_273 = arith.constant 2 : i32
      %scan3A_274 = arith.addi %scan3A_143, %scan3A_273 : i32
      %mul3A_275 = arith.constant 4 : i32
      %mul3A_276 = arith.muli %scan3A_274, %mul3A_275 : i32
      %add3A_277 = arith.constant 0 : i32
      %add3A_278 = arith.addi %mul3A_276, %add3A_277 : i32
      %mul3A_279 = arith.constant 16 : i32
      %mul3A_280 = arith.muli %add3A_278, %mul3A_279 : i32
      %get3A_281 = arith.index_cast %mul3A_280 : i32 to index
      %get3A_282 = tpu.vector_load %arg4[%get3A_281] {strides = array<i32>} : memref<2048xf32, #tpu.memory_space<vmem>>, vector<16xf32>,
      %lt3A_283 = arith.cmpf olt, %get3A_282, %select_n3A_222 : vector<16xf32>
      %select_n3A_284 = arith.select %lt3A_283, %get3A_282, %select_n3A_222 : vector<16xi1>, vector<16xf32>
      %broadcast_in_dim3A_285 = arith.constant 0 : i32
      %broadcast_in_dim3A_286 = vector.broadcast %broadcast_in_dim3A_285 : i32 to vector<16xi32>
      %add3A_287 = vector.broadcast %add3A_278 : i32 to vector<16xi32>
      %add3A_288 = arith.addi %broadcast_in_dim3A_286, %add3A_287 : vector<16xi32>
      %select_n3A_289 = arith.select %lt3A_283, %add3A_288, %select_n3A_227 : vector<16xi1>, vector<16xi32>
      %mul3A_290 = arith.constant 4 : i32
      %mul3A_291 = arith.muli %scan3A_274, %mul3A_290 : i32
      %add3A_292 = arith.constant 1 : i32
      %add3A_293 = arith.addi %mul3A_291, %add3A_292 : i32
      %mul3A_294 = arith.constant 16 : i32
      %mul3A_295 = arith.muli %add3A_293, %mul3A_294 : i32
      %get3A_296 = arith.index_cast %mul3A_295 : i32 to index
      %get3A_297 = tpu.vector_load %arg4[%get3A_296] {strides = array<i32>} : memref<2048xf32, #tpu.memory_space<vmem>>, vector<16xf32>,
      %lt3A_298 = arith.cmpf olt, %get3A_297, %select_n3A_237 : vector<16xf32>
      %select_n3A_299 = arith.select %lt3A_298, %get3A_297, %select_n3A_237 : vector<16xi1>, vector<16xf32>
      %broadcast_in_dim3A_300 = arith.constant 0 : i32
      %broadcast_in_dim3A_301 = vector.broadcast %broadcast_in_dim3A_300 : i32 to vector<16xi32>
      %add3A_302 = vector.broadcast %add3A_293 : i32 to vector<16xi32>
      %add3A_303 = arith.addi %broadcast_in_dim3A_301, %add3A_302 : vector<16xi32>
      %select_n3A_304 = arith.select %lt3A_298, %add3A_303, %select_n3A_242 : vector<16xi1>, vector<16xi32>
      %mul3A_305 = arith.constant 4 : i32
      %mul3A_306 = arith.muli %scan3A_274, %mul3A_305 : i32
      %add3A_307 = arith.constant 2 : i32
      %add3A_308 = arith.addi %mul3A_306, %add3A_307 : i32
      %mul3A_309 = arith.constant 16 : i32
      %mul3A_310 = arith.muli %add3A_308, %mul3A_309 : i32
      %get3A_311 = arith.index_cast %mul3A_310 : i32 to index
      %get3A_312 = tpu.vector_load %arg4[%get3A_311] {strides = array<i32>} : memref<2048xf32, #tpu.memory_space<vmem>>, vector<16xf32>,
      %lt3A_313 = arith.cmpf olt, %get3A_312, %select_n3A_252 : vector<16xf32>
      %select_n3A_314 = arith.select %lt3A_313, %get3A_312, %select_n3A_252 : vector<16xi1>, vector<16xf32>
      %broadcast_in_dim3A_315 = arith.constant 0 : i32
      %broadcast_in_dim3A_316 = vector.broadcast %broadcast_in_dim3A_315 : i32 to vector<16xi32>
      %add3A_317 = vector.broadcast %add3A_308 : i32 to vector<16xi32>
      %add3A_318 = arith.addi %broadcast_in_dim3A_316, %add3A_317 : vector<16xi32>
      %select_n3A_319 = arith.select %lt3A_313, %add3A_318, %select_n3A_257 : vector<16xi1>, vector<16xi32>
      %mul3A_320 = arith.constant 4 : i32
      %mul3A_321 = arith.muli %scan3A_274, %mul3A_320 : i32
      %add3A_322 = arith.constant 3 : i32
      %add3A_323 = arith.addi %mul3A_321, %add3A_322 : i32
      %mul3A_324 = arith.constant 16 : i32
      %mul3A_325 = arith.muli %add3A_323, %mul3A_324 : i32
      %get3A_326 = arith.index_cast %mul3A_325 : i32 to index
      %get3A_327 = tpu.vector_load %arg4[%get3A_326] {strides = array<i32>} : memref<2048xf32, #tpu.memory_space<vmem>>, vector<16xf32>,
      %lt3A_328 = arith.cmpf olt, %get3A_327, %select_n3A_267 : vector<16xf32>
      %select_n3A_329 = arith.select %lt3A_328, %get3A_327, %select_n3A_267 : vector<16xi1>, vector<16xf32>
      %broadcast_in_dim3A_330 = arith.constant 0 : i32
      %broadcast_in_dim3A_331 = vector.broadcast %broadcast_in_dim3A_330 : i32 to vector<16xi32>
      %add3A_332 = vector.broadcast %add3A_323 : i32 to vector<16xi32>
      %add3A_333 = arith.addi %broadcast_in_dim3A_331, %add3A_332 : vector<16xi32>
      %select_n3A_334 = arith.select %lt3A_328, %add3A_333, %select_n3A_272 : vector<16xi1>, vector<16xi32>
      %scan3A_335 = arith.constant 3 : i32
      %scan3A_336 = arith.addi %scan3A_143, %scan3A_335 : i32
      %mul3A_337 = arith.constant 4 : i32
      %mul3A_338 = arith.muli %scan3A_336, %mul3A_337 : i32
      %add3A_339 = arith.constant 0 : i32
      %add3A_340 = arith.addi %mul3A_338, %add3A_339 : i32
      %mul3A_341 = arith.constant 16 : i32
      %mul3A_342 = arith.muli %add3A_340, %mul3A_341 : i32
      %get3A_343 = arith.index_cast %mul3A_342 : i32 to index
      %get3A_344 = tpu.vector_load %arg4[%get3A_343] {strides = array<i32>} : memref<2048xf32, #tpu.memory_space<vmem>>, vector<16xf32>,
      %lt3A_345 = arith.cmpf olt, %get3A_344, %select_n3A_284 : vector<16xf32>
      %select_n3A_346 = arith.select %lt3A_345, %get3A_344, %select_n3A_284 : vector<16xi1>, vector<16xf32>
      %broadcast_in_dim3A_347 = arith.constant 0 : i32
      %broadcast_in_dim3A_348 = vector.broadcast %broadcast_in_dim3A_347 : i32 to vector<16xi32>
      %add3A_349 = vector.broadcast %add3A_340 : i32 to vector<16xi32>
      %add3A_350 = arith.addi %broadcast_in_dim3A_348, %add3A_349 : vector<16xi32>
      %select_n3A_351 = arith.select %lt3A_345, %add3A_350, %select_n3A_289 : vector<16xi1>, vector<16xi32>
      %mul3A_352 = arith.constant 4 : i32
      %mul3A_353 = arith.muli %scan3A_336, %mul3A_352 : i32
      %add3A_354 = arith.constant 1 : i32
      %add3A_355 = arith.addi %mul3A_353, %add3A_354 : i32
      %mul3A_356 = arith.constant 16 : i32
      %mul3A_357 = arith.muli %add3A_355, %mul3A_356 : i32
      %get3A_358 = arith.index_cast %mul3A_357 : i32 to index
      %get3A_359 = tpu.vector_load %arg4[%get3A_358] {strides = array<i32>} : memref<2048xf32, #tpu.memory_space<vmem>>, vector<16xf32>,
      %lt3A_360 = arith.cmpf olt, %get3A_359, %select_n3A_299 : vector<16xf32>
      %select_n3A_361 = arith.select %lt3A_360, %get3A_359, %select_n3A_299 : vector<16xi1>, vector<16xf32>
      %broadcast_in_dim3A_362 = arith.constant 0 : i32
      %broadcast_in_dim3A_363 = vector.broadcast %broadcast_in_dim3A_362 : i32 to vector<16xi32>
      %add3A_364 = vector.broadcast %add3A_355 : i32 to vector<16xi32>
      %add3A_365 = arith.addi %broadcast_in_dim3A_363, %add3A_364 : vector<16xi32>
      %select_n3A_366 = arith.select %lt3A_360, %add3A_365, %select_n3A_304 : vector<16xi1>, vector<16xi32>
      %mul3A_367 = arith.constant 4 : i32
      %mul3A_368 = arith.muli %scan3A_336, %mul3A_367 : i32
      %add3A_369 = arith.constant 2 : i32
      %add3A_370 = arith.addi %mul3A_368, %add3A_369 : i32
      %mul3A_371 = arith.constant 16 : i32
      %mul3A_372 = arith.muli %add3A_370, %mul3A_371 : i32
      %get3A_373 = arith.index_cast %mul3A_372 : i32 to index
      %get3A_374 = tpu.vector_load %arg4[%get3A_373] {strides = array<i32>} : memref<2048xf32, #tpu.memory_space<vmem>>, vector<16xf32>,
      %lt3A_375 = arith.cmpf olt, %get3A_374, %select_n3A_314 : vector<16xf32>
      %select_n3A_376 = arith.select %lt3A_375, %get3A_374, %select_n3A_314 : vector<16xi1>, vector<16xf32>
      %broadcast_in_dim3A_377 = arith.constant 0 : i32
      %broadcast_in_dim3A_378 = vector.broadcast %broadcast_in_dim3A_377 : i32 to vector<16xi32>
      %add3A_379 = vector.broadcast %add3A_370 : i32 to vector<16xi32>
      %add3A_380 = arith.addi %broadcast_in_dim3A_378, %add3A_379 : vector<16xi32>
      %select_n3A_381 = arith.select %lt3A_375, %add3A_380, %select_n3A_319 : vector<16xi1>, vector<16xi32>
      %mul3A_382 = arith.constant 4 : i32
      %mul3A_383 = arith.muli %scan3A_336, %mul3A_382 : i32
      %add3A_384 = arith.constant 3 : i32
      %add3A_385 = arith.addi %mul3A_383, %add3A_384 : i32
      %mul3A_386 = arith.constant 16 : i32
      %mul3A_387 = arith.muli %add3A_385, %mul3A_386 : i32
      %get3A_388 = arith.index_cast %mul3A_387 : i32 to index
      %get3A_389 = tpu.vector_load %arg4[%get3A_388] {strides = array<i32>} : memref<2048xf32, #tpu.memory_space<vmem>>, vector<16xf32>,
      %lt3A_390 = arith.cmpf olt, %get3A_389, %select_n3A_329 : vector<16xf32>
      %select_n3A_391 = arith.select %lt3A_390, %get3A_389, %select_n3A_329 : vector<16xi1>, vector<16xf32>
      %broadcast_in_dim3A_392 = arith.constant 0 : i32
      %broadcast_in_dim3A_393 = vector.broadcast %broadcast_in_dim3A_392 : i32 to vector<16xi32>
      %add3A_394 = vector.broadcast %add3A_385 : i32 to vector<16xi32>
      %add3A_395 = arith.addi %broadcast_in_dim3A_393, %add3A_394 : vector<16xi32>
      %select_n3A_396 = arith.select %lt3A_390, %add3A_395, %select_n3A_334 : vector<16xi1>, vector<16xi32>
      scf.yield %select_n3A_346, %select_n3A_361, %select_n3A_376, %select_n3A_391, %select_n3A_351, %select_n3A_366, %select_n3A_381, %select_n3A_396 : vector<16xf32>, vector<16xf32>, vector<16xf32>, vector<16xf32>, vector<16xi32>, vector<16xi32>, vector<16xi32>, vector<16xi32>
    }
    %scan3A_58 = arith.constant 16 : i32
    %lt3A = arith.cmpf olt, %scan3A_57#1, %scan3A_57#0 : vector<16xf32>
    %eq3A = arith.cmpf oeq, %scan3A_57#1, %scan3A_57#0 : vector<16xf32>
    %lt3A_59 = arith.cmpi slt, %scan3A_57#5, %scan3A_57#4 : vector<16xi32>
    %and3A = arith.andi %eq3A, %lt3A_59 : vector<16xi1>
    %or3A = arith.ori %lt3A, %and3A : vector<16xi1>
    %select_n3A = arith.select %or3A, %scan3A_57#1, %scan3A_57#0 : vector<16xi1>, vector<16xf32>
    %select_n3A_60 = arith.select %or3A, %scan3A_57#5, %scan3A_57#4 : vector<16xi1>, vector<16xi32>
    %lt3A_61 = arith.cmpf olt, %scan3A_57#3, %scan3A_57#2 : vector<16xf32>
    %eq3A_62 = arith.cmpf oeq, %scan3A_57#3, %scan3A_57#2 : vector<16xf32>
    %lt3A_63 = arith.cmpi slt, %scan3A_57#7, %scan3A_57#6 : vector<16xi32>
    %and3A_64 = arith.andi %eq3A_62, %lt3A_63 : vector<16xi1>
    %or3A_65 = arith.ori %lt3A_61, %and3A_64 : vector<16xi1>
    %select_n3A_66 = arith.select %or3A_65, %scan3A_57#3, %scan3A_57#2 : vector<16xi1>, vector<16xf32>
    %select_n3A_67 = arith.select %or3A_65, %scan3A_57#7, %scan3A_57#6 : vector<16xi1>, vector<16xi32>
    %lt3A_68 = arith.cmpf olt, %select_n3A_66, %select_n3A : vector<16xf32>
    %eq3A_69 = arith.cmpf oeq, %select_n3A_66, %select_n3A : vector<16xf32>
    %lt3A_70 = arith.cmpi slt, %select_n3A_67, %select_n3A_60 : vector<16xi32>
    %and3A_71 = arith.andi %eq3A_69, %lt3A_70 : vector<16xi1>
    %or3A_72 = arith.ori %lt3A_68, %and3A_71 : vector<16xi1>
    %select_n3A_73 = arith.select %or3A_72, %select_n3A_66, %select_n3A : vector<16xi1>, vector<16xf32>
    %select_n3A_74 = arith.select %or3A_72, %select_n3A_67, %select_n3A_60 : vector<16xi1>, vector<16xi32>
    %mul3A_75 = arith.constant 16 : i32
    %mul3A_76 = vector.broadcast %mul3A_75 : i32 to vector<16xi32>
    %mul3A_77 = arith.muli %select_n3A_74, %mul3A_76 : vector<16xi32>
    %add3A_78 = vector.broadcast %mul3A_0 : i32 to vector<16xi32>
    %add3A_79 = arith.addi %add3A_78, %mul3A_77 : vector<16xi32>
    %add3A_80 = arith.addi %add3A_79, %iota3A : vector<16xi32>
    %reduce_min3A = arith.constant true
    %reduce_min3A_81 = vector.broadcast %reduce_min3A : i1 to vector<16xi1>
    %reduce_min3A_82 = tpu.scan <min>, %select_n3A_73 masked %reduce_min3A_81 : vector<16xf32>, vector<16xi1> -> vector<16xf32>
    %reduce_min3A_83 = vector.extract %reduce_min3A_82[15] : f32 from vector<16xf32>
    %eq3A_84 = vector.broadcast %reduce_min3A_83 : f32 to vector<16xf32>
    %eq3A_85 = arith.cmpf oeq, %select_n3A_73, %eq3A_84 : vector<16xf32>
    %jit3A = arith.constant 2147483647 : i32
    %broadcast_in_dim3A_86 = vector.broadcast %jit3A : i32 to vector<16xi32>
    %select_n3A_87 = arith.select %eq3A_85, %add3A_80, %broadcast_in_dim3A_86 : vector<16xi1>, vector<16xi32>
    %reduce_min3A_88 = arith.constant true
    %reduce_min3A_89 = vector.broadcast %reduce_min3A_88 : i1 to vector<16xi1>
    %reduce_min3A_90 = arith.constant -2147483648 : i32
    %reduce_min3A_91 = vector.broadcast %reduce_min3A_90 : i32 to vector<16xi32>
    %reduce_min3A_92 = arith.xori %select_n3A_87, %reduce_min3A_91 : vector<16xi32>
    %reduce_min3A_93 = tpu.scan <min>, %reduce_min3A_92 masked %reduce_min3A_89 : vector<16xi32>, vector<16xi1> -> vector<16xi32>
    %reduce_min3A_94 = arith.xori %reduce_min3A_93, %reduce_min3A_91 : vector<16xi32>
    %reduce_min3A_95 = vector.extract %reduce_min3A_94[15] : i32 from vector<16xi32>
    %broadcast_in_dim3A_96 = vector.broadcast %reduce_min3A_83 : f32 to vector<16xf32>
    %swap3A = arith.constant 0 : index
    %swap3A_97 = tpu.vector_load %arg6[%swap3A] {strides = array<i32>} : memref<32xf32, #tpu.memory_space<vmem>>, vector<16xf32>,
    tpu.vector_store %arg6[%swap3A], %broadcast_in_dim3A_96 {strides = array<i32>} : memref<32xf32, #tpu.memory_space<vmem>>, vector<16xf32>,
    %broadcast_in_dim3A_98 = vector.broadcast %reduce_min3A_95 : i32 to vector<16xi32>
    %convert_element_type3A = arith.sitofp %broadcast_in_dim3A_98 : vector<16xi32> to vector<16xf32>
    %swap3A_99 = arith.constant 16 : index
    %swap3A_100 = tpu.vector_load %arg6[%swap3A_99] {strides = array<i32>} : memref<32xf32, #tpu.memory_space<vmem>>, vector<16xf32>,
    tpu.vector_store %arg6[%swap3A_99], %convert_element_type3A {strides = array<i32>} : memref<32xf32, #tpu.memory_space<vmem>>, vector<16xf32>,
    %mul3A_101 = arith.constant 2 : i32
    %mul3A_102 = arith.muli %arg1, %mul3A_101 : i32
    %mul3A_103 = arith.constant 16 : i32
    %mul3A_104 = arith.muli %mul3A_102, %mul3A_103 : i32
    "tpu.region"() ({
      %run_scoped3A = tpu.sem_alloc : memref<!tpu.dma_semaphore, #tpu.memory_space<semaphore_mem>>
      %dma_start3A_143 = tpu.memref_slice %arg8[%mul3A_104] : memref<512xf32, #tpu.memory_space<vmem_shared>> -> memref<32xf32, #tpu.memory_space<vmem_shared>>
      %dma_start3A_144 = tpu.memref_slice %arg8[%mul3A_104] : memref<512xf32, #tpu.memory_space<vmem_shared>> -> memref<32xf32, #tpu.memory_space<vmem_shared>>
      tpu.enqueue_dma source(%arg6 : memref<32xf32, #tpu.memory_space<vmem>>) target(%dma_start3A_144 : memref<32xf32, #tpu.memory_space<vmem_shared>>) target_semaphore(%run_scoped3A : memref<!tpu.dma_semaphore, #tpu.memory_space<semaphore_mem>>)
      %dma_wait3A_145 = tpu.memref_slice %arg8[%mul3A_104] : memref<512xf32, #tpu.memory_space<vmem_shared>> -> memref<32xf32, #tpu.memory_space<vmem_shared>>
      %dma_wait3A_146 = tpu.memref_slice %arg8[%mul3A_104] : memref<512xf32, #tpu.memory_space<vmem_shared>> -> memref<32xf32, #tpu.memory_space<vmem_shared>>
      tpu.wait_dma2 semaphore(%run_scoped3A : memref<!tpu.dma_semaphore, #tpu.memory_space<semaphore_mem>>) src(%arg6 : memref<32xf32, #tpu.memory_space<vmem>>) dst(%dma_wait3A_146 : memref<32xf32, #tpu.memory_space<vmem_shared>>)
      tpu.yield
    }) : () -> ()
    %dma_start3A_105 = tpu.memref_slice %arg3[%mul3A_0] : memref<32768xf32, #tpu.memory_space<hbm>> -> memref<2048xf32, #tpu.memory_space<hbm>>
    %dma_start3A_106 = tpu.memref_slice %arg3[%mul3A_0] : memref<32768xf32, #tpu.memory_space<hbm>> -> memref<2048xf32, #tpu.memory_space<hbm>>
    tpu.enqueue_dma source(%arg5 : memref<2048xf32, #tpu.memory_space<vmem>>) target(%dma_start3A_106 : memref<2048xf32, #tpu.memory_space<hbm>>) target_semaphore(%arg9 : memref<!tpu.dma_semaphore, #tpu.memory_space<semaphore_mem>>)
    %barrier3A = arith.constant 0 : index
    tpu.barrier barrier_id(%barrier3A)
    "tpu.region"() ({
      %run_scoped3A = tpu.sem_alloc : memref<!tpu.dma_semaphore, #tpu.memory_space<semaphore_mem>>
      tpu.enqueue_dma source(%arg8 : memref<512xf32, #tpu.memory_space<vmem_shared>>) target(%arg7 : memref<512xf32, #tpu.memory_space<vmem>>) target_semaphore(%run_scoped3A : memref<!tpu.dma_semaphore, #tpu.memory_space<semaphore_mem>>)
      tpu.wait_dma2 semaphore(%run_scoped3A : memref<!tpu.dma_semaphore, #tpu.memory_space<semaphore_mem>>) src(%arg8 : memref<512xf32, #tpu.memory_space<vmem_shared>>) dst(%arg7 : memref<512xf32, #tpu.memory_space<vmem>>)
      tpu.yield
    }) : () -> ()
    %broadcast_in_dim3A_107 = arith.constant 0x7F800000 : f32
    %broadcast_in_dim3A_108 = vector.broadcast %broadcast_in_dim3A_107 : f32 to vector<16xf32>
    %broadcast_in_dim3A_109 = arith.constant 0.000000e+00 : f32
    %broadcast_in_dim3A_110 = vector.broadcast %broadcast_in_dim3A_109 : f32 to vector<16xf32>
    %scan3A_111 = arith.constant 0 : i32
    %scan3A_112 = arith.constant 16 : i32
    %scan3A_113 = arith.addi %scan3A_111, %scan3A_112 : i32
    %scan3A_114 = arith.constant 4 : i32
    %scan3A_115:2 = scf.for %scan3A_143 = %scan3A_111 to %scan3A_113 step %scan3A_114 iter_args(%scan3A_144 = %broadcast_in_dim3A_108, %scan3A_145 = %broadcast_in_dim3A_110) -> (vector<16xf32>, vector<16xf32>)  : i32 {
      %eq3A_146 = vector.broadcast %scan3A_143 : i32 to vector<16xi32>
      %eq3A_147 = arith.cmpi eq, %iota3A, %eq3A_146 : vector<16xi32>
      %mul3A_148 = arith.constant 2 : i32
      %mul3A_149 = arith.muli %scan3A_143, %mul3A_148 : i32
      %mul3A_150 = arith.constant 16 : i32
      %mul3A_151 = arith.muli %mul3A_149, %mul3A_150 : i32
      %get3A = arith.index_cast %mul3A_151 : i32 to index
      %get3A_152 = tpu.vector_load %arg7[%get3A] {strides = array<i32>} : memref<512xf32, #tpu.memory_space<vmem>>, vector<16xf32>,
      %select_n3A_153 = arith.select %eq3A_147, %get3A_152, %scan3A_144 : vector<16xi1>, vector<16xf32>
      %mul3A_154 = arith.constant 2 : i32
      %mul3A_155 = arith.muli %scan3A_143, %mul3A_154 : i32
      %mul3A_156 = arith.constant 16 : i32
      %mul3A_157 = arith.muli %mul3A_155, %mul3A_156 : i32
      %add3A_158 = arith.constant 16 : i32
      %add3A_159 = arith.addi %mul3A_157, %add3A_158 : i32
      %get3A_160 = arith.index_cast %add3A_159 : i32 to index
      %get3A_161 = tpu.vector_load %arg7[%get3A_160] {strides = array<i32>} : memref<512xf32, #tpu.memory_space<vmem>>, vector<16xf32>,
      %select_n3A_162 = arith.select %eq3A_147, %get3A_161, %scan3A_145 : vector<16xi1>, vector<16xf32>
      %scan3A_163 = arith.constant 1 : i32
      %scan3A_164 = arith.addi %scan3A_143, %scan3A_163 : i32
      %eq3A_165 = vector.broadcast %scan3A_164 : i32 to vector<16xi32>
      %eq3A_166 = arith.cmpi eq, %iota3A, %eq3A_165 : vector<16xi32>
      %mul3A_167 = arith.constant 2 : i32
      %mul3A_168 = arith.muli %scan3A_164, %mul3A_167 : i32
      %mul3A_169 = arith.constant 16 : i32
      %mul3A_170 = arith.muli %mul3A_168, %mul3A_169 : i32
      %get3A_171 = arith.index_cast %mul3A_170 : i32 to index
      %get3A_172 = tpu.vector_load %arg7[%get3A_171] {strides = array<i32>} : memref<512xf32, #tpu.memory_space<vmem>>, vector<16xf32>,
      %select_n3A_173 = arith.select %eq3A_166, %get3A_172, %select_n3A_153 : vector<16xi1>, vector<16xf32>
      %mul3A_174 = arith.constant 2 : i32
      %mul3A_175 = arith.muli %scan3A_164, %mul3A_174 : i32
      %mul3A_176 = arith.constant 16 : i32
      %mul3A_177 = arith.muli %mul3A_175, %mul3A_176 : i32
      %add3A_178 = arith.constant 16 : i32
      %add3A_179 = arith.addi %mul3A_177, %add3A_178 : i32
      %get3A_180 = arith.index_cast %add3A_179 : i32 to index
      %get3A_181 = tpu.vector_load %arg7[%get3A_180] {strides = array<i32>} : memref<512xf32, #tpu.memory_space<vmem>>, vector<16xf32>,
      %select_n3A_182 = arith.select %eq3A_166, %get3A_181, %select_n3A_162 : vector<16xi1>, vector<16xf32>
      %scan3A_183 = arith.constant 2 : i32
      %scan3A_184 = arith.addi %scan3A_143, %scan3A_183 : i32
      %eq3A_185 = vector.broadcast %scan3A_184 : i32 to vector<16xi32>
      %eq3A_186 = arith.cmpi eq, %iota3A, %eq3A_185 : vector<16xi32>
      %mul3A_187 = arith.constant 2 : i32
      %mul3A_188 = arith.muli %scan3A_184, %mul3A_187 : i32
      %mul3A_189 = arith.constant 16 : i32
      %mul3A_190 = arith.muli %mul3A_188, %mul3A_189 : i32
      %get3A_191 = arith.index_cast %mul3A_190 : i32 to index
      %get3A_192 = tpu.vector_load %arg7[%get3A_191] {strides = array<i32>} : memref<512xf32, #tpu.memory_space<vmem>>, vector<16xf32>,
      %select_n3A_193 = arith.select %eq3A_186, %get3A_192, %select_n3A_173 : vector<16xi1>, vector<16xf32>
      %mul3A_194 = arith.constant 2 : i32
      %mul3A_195 = arith.muli %scan3A_184, %mul3A_194 : i32
      %mul3A_196 = arith.constant 16 : i32
      %mul3A_197 = arith.muli %mul3A_195, %mul3A_196 : i32
      %add3A_198 = arith.constant 16 : i32
      %add3A_199 = arith.addi %mul3A_197, %add3A_198 : i32
      %get3A_200 = arith.index_cast %add3A_199 : i32 to index
      %get3A_201 = tpu.vector_load %arg7[%get3A_200] {strides = array<i32>} : memref<512xf32, #tpu.memory_space<vmem>>, vector<16xf32>,
      %select_n3A_202 = arith.select %eq3A_186, %get3A_201, %select_n3A_182 : vector<16xi1>, vector<16xf32>
      %scan3A_203 = arith.constant 3 : i32
      %scan3A_204 = arith.addi %scan3A_143, %scan3A_203 : i32
      %eq3A_205 = vector.broadcast %scan3A_204 : i32 to vector<16xi32>
      %eq3A_206 = arith.cmpi eq, %iota3A, %eq3A_205 : vector<16xi32>
      %mul3A_207 = arith.constant 2 : i32
      %mul3A_208 = arith.muli %scan3A_204, %mul3A_207 : i32
      %mul3A_209 = arith.constant 16 : i32
      %mul3A_210 = arith.muli %mul3A_208, %mul3A_209 : i32
      %get3A_211 = arith.index_cast %mul3A_210 : i32 to index
      %get3A_212 = tpu.vector_load %arg7[%get3A_211] {strides = array<i32>} : memref<512xf32, #tpu.memory_space<vmem>>, vector<16xf32>,
      %select_n3A_213 = arith.select %eq3A_206, %get3A_212, %select_n3A_193 : vector<16xi1>, vector<16xf32>
      %mul3A_214 = arith.constant 2 : i32
      %mul3A_215 = arith.muli %scan3A_204, %mul3A_214 : i32
      %mul3A_216 = arith.constant 16 : i32
      %mul3A_217 = arith.muli %mul3A_215, %mul3A_216 : i32
      %add3A_218 = arith.constant 16 : i32
      %add3A_219 = arith.addi %mul3A_217, %add3A_218 : i32
      %get3A_220 = arith.index_cast %add3A_219 : i32 to index
      %get3A_221 = tpu.vector_load %arg7[%get3A_220] {strides = array<i32>} : memref<512xf32, #tpu.memory_space<vmem>>, vector<16xf32>,
      %select_n3A_222 = arith.select %eq3A_206, %get3A_221, %select_n3A_202 : vector<16xi1>, vector<16xf32>
      scf.yield %select_n3A_213, %select_n3A_222 : vector<16xf32>, vector<16xf32>
    }
    %scan3A_116 = arith.constant 16 : i32
    %convert_element_type3A_117 = arith.fptosi %scan3A_115#1 : vector<16xf32> to vector<16xi32>
    %reduce_min3A_118 = arith.constant true
    %reduce_min3A_119 = vector.broadcast %reduce_min3A_118 : i1 to vector<16xi1>
    %reduce_min3A_120 = tpu.scan <min>, %scan3A_115#0 masked %reduce_min3A_119 : vector<16xf32>, vector<16xi1> -> vector<16xf32>
    %reduce_min3A_121 = vector.extract %reduce_min3A_120[15] : f32 from vector<16xf32>
    %eq3A_122 = vector.broadcast %reduce_min3A_121 : f32 to vector<16xf32>
    %eq3A_123 = arith.cmpf oeq, %scan3A_115#0, %eq3A_122 : vector<16xf32>
    %jit3A_124 = arith.constant 2147483647 : i32
    %broadcast_in_dim3A_125 = vector.broadcast %jit3A_124 : i32 to vector<16xi32>
    %select_n3A_126 = arith.select %eq3A_123, %convert_element_type3A_117, %broadcast_in_dim3A_125 : vector<16xi1>, vector<16xi32>
    %reduce_min3A_127 = arith.constant true
    %reduce_min3A_128 = vector.broadcast %reduce_min3A_127 : i1 to vector<16xi1>
    %reduce_min3A_129 = arith.constant -2147483648 : i32
    %reduce_min3A_130 = vector.broadcast %reduce_min3A_129 : i32 to vector<16xi32>
    %reduce_min3A_131 = arith.xori %select_n3A_126, %reduce_min3A_130 : vector<16xi32>
    %reduce_min3A_132 = tpu.scan <min>, %reduce_min3A_131 masked %reduce_min3A_128 : vector<16xi32>, vector<16xi1> -> vector<16xi32>
    %reduce_min3A_133 = arith.xori %reduce_min3A_132, %reduce_min3A_130 : vector<16xi32>
    %reduce_min3A_134 = vector.extract %reduce_min3A_133[15] : i32 from vector<16xi32>
    %dma_wait3A_135 = tpu.memref_slice %arg3[%mul3A_0] : memref<32768xf32, #tpu.memory_space<hbm>> -> memref<2048xf32, #tpu.memory_space<hbm>>
    %dma_wait3A_136 = tpu.memref_slice %arg3[%mul3A_0] : memref<32768xf32, #tpu.memory_space<hbm>> -> memref<2048xf32, #tpu.memory_space<hbm>>
    tpu.wait_dma2 semaphore(%arg9 : memref<!tpu.dma_semaphore, #tpu.memory_space<semaphore_mem>>) src(%arg5 : memref<2048xf32, #tpu.memory_space<vmem>>) dst(%dma_wait3A_136 : memref<2048xf32, #tpu.memory_space<hbm>>)
    %sub3A = arith.subi %reduce_min3A_134, %mul3A_0 : i32
    %ge3A = arith.constant 0 : i32
    %ge3A_137 = arith.cmpi sge, %sub3A, %ge3A : i32
    %lt3A_138 = arith.constant 2048 : i32
    %lt3A_139 = arith.cmpi slt, %sub3A, %lt3A_138 : i32
    %and3A_140 = arith.andi %ge3A_137, %lt3A_139 : i1
    %convert_element_type3A_141 = arith.extui %and3A_140 : i1 to i32
    %cond3A = arith.constant 0 : i32
    %cond3A_142 = arith.cmpi ne, %convert_element_type3A_141, %cond3A : i32
    scf.if %cond3A_142 {
      %jit3A_143 = arith.constant 16 : i32
      %div3A = arith.divsi %sub3A, %jit3A_143 : i32
      %sign3A = arith.constant 0 : i32
      %sign3A_144 = arith.cmpi sgt, %sub3A, %sign3A : i32
      %sign3A_145 = arith.extui %sign3A_144 : i1 to i32
      %sign3A_146 = arith.constant 0 : i32
      %sign3A_147 = arith.cmpi slt, %sub3A, %sign3A_146 : i32
      %sign3A_148 = arith.extui %sign3A_147 : i1 to i32
      %sign3A_149 = arith.subi %sign3A_145, %sign3A_148 : i32
      %sign3A_150 = arith.constant 0 : i32
      %sign3A_151 = arith.cmpi sgt, %jit3A_143, %sign3A_150 : i32
      %sign3A_152 = arith.extui %sign3A_151 : i1 to i32
      %sign3A_153 = arith.constant 0 : i32
      %sign3A_154 = arith.cmpi slt, %jit3A_143, %sign3A_153 : i32
      %sign3A_155 = arith.extui %sign3A_154 : i1 to i32
      %sign3A_156 = arith.subi %sign3A_152, %sign3A_155 : i32
      %ne3A = arith.cmpi ne, %sign3A_149, %sign3A_156 : i32
      %rem3A = arith.remsi %sub3A, %jit3A_143 : i32
      %ne3A_157 = arith.constant 0 : i32
      %ne3A_158 = arith.cmpi ne, %rem3A, %ne3A_157 : i32
      %and3A_159 = arith.andi %ne3A, %ne3A_158 : i1
      %sub3A_160 = arith.constant 1 : i32
      %sub3A_161 = arith.subi %div3A, %sub3A_160 : i32
      %select_n3A_162 = arith.select %and3A_159, %sub3A_161, %div3A : i32
      %mul3A_163 = arith.constant 16 : i32
      %mul3A_164 = arith.muli %select_n3A_162, %mul3A_163 : i32
      %sub3A_165 = arith.subi %sub3A, %mul3A_164 : i32
      %eq3A_166 = vector.broadcast %sub3A_165 : i32 to vector<16xi32>
      %eq3A_167 = arith.cmpi eq, %iota3A, %eq3A_166 : vector<16xi32>
      %jit3A_168 = arith.constant 1.000000e+00 : f32
      %jit3A_169 = arith.constant 0.000000e+00 : f32
      %broadcast_in_dim3A_170 = vector.broadcast %jit3A_168 : f32 to vector<16xf32>
      %broadcast_in_dim3A_171 = vector.broadcast %jit3A_169 : f32 to vector<16xf32>
      %select_n3A_172 = arith.select %eq3A_167, %broadcast_in_dim3A_170, %broadcast_in_dim3A_171 : vector<16xi1>, vector<16xf32>
      %swap3A_173 = arith.constant 0 : index
      %swap3A_174 = tpu.vector_load %arg6[%swap3A_173] {strides = array<i32>} : memref<32xf32, #tpu.memory_space<vmem>>, vector<16xf32>,
      tpu.vector_store %arg6[%swap3A_173], %select_n3A_172 {strides = array<i32>} : memref<32xf32, #tpu.memory_space<vmem>>, vector<16xf32>,
      %mul3A_175 = arith.constant 16 : i32
      %mul3A_176 = arith.muli %select_n3A_162, %mul3A_175 : i32
      %add3A_177 = arith.addi %mul3A_0, %mul3A_176 : i32
      "tpu.region"() ({
        %run_scoped3A = tpu.sem_alloc : memref<!tpu.dma_semaphore, #tpu.memory_space<semaphore_mem>>
        %dma_start3A_178 = arith.constant 0 : i32
        %dma_start3A_179 = tpu.memref_slice %arg6[%dma_start3A_178] : memref<32xf32, #tpu.memory_space<vmem>> -> memref<16xf32, #tpu.memory_space<vmem>>
        %dma_start3A_180 = tpu.memref_slice %arg3[%add3A_177] : memref<32768xf32, #tpu.memory_space<hbm>> -> memref<16xf32, #tpu.memory_space<hbm>>
        %dma_start3A_181 = tpu.memref_slice %arg3[%add3A_177] : memref<32768xf32, #tpu.memory_space<hbm>> -> memref<16xf32, #tpu.memory_space<hbm>>
        %dma_start3A_182 = arith.constant 0 : i32
        %dma_start3A_183 = tpu.memref_slice %arg6[%dma_start3A_182] : memref<32xf32, #tpu.memory_space<vmem>> -> memref<16xf32, #tpu.memory_space<vmem>>
        tpu.enqueue_dma source(%dma_start3A_183 : memref<16xf32, #tpu.memory_space<vmem>>) target(%dma_start3A_181 : memref<16xf32, #tpu.memory_space<hbm>>) target_semaphore(%run_scoped3A : memref<!tpu.dma_semaphore, #tpu.memory_space<semaphore_mem>>)
        %dma_wait3A_184 = arith.constant 0 : i32
        %dma_wait3A_185 = tpu.memref_slice %arg6[%dma_wait3A_184] : memref<32xf32, #tpu.memory_space<vmem>> -> memref<16xf32, #tpu.memory_space<vmem>>
        %dma_wait3A_186 = tpu.memref_slice %arg3[%add3A_177] : memref<32768xf32, #tpu.memory_space<hbm>> -> memref<16xf32, #tpu.memory_space<hbm>>
        %dma_wait3A_187 = tpu.memref_slice %arg3[%add3A_177] : memref<32768xf32, #tpu.memory_space<hbm>> -> memref<16xf32, #tpu.memory_space<hbm>>
        %dma_wait3A_188 = arith.constant 0 : i32
        %dma_wait3A_189 = tpu.memref_slice %arg6[%dma_wait3A_188] : memref<32xf32, #tpu.memory_space<vmem>> -> memref<16xf32, #tpu.memory_space<vmem>>
        tpu.wait_dma2 semaphore(%run_scoped3A : memref<!tpu.dma_semaphore, #tpu.memory_space<semaphore_mem>>) src(%dma_wait3A_189 : memref<16xf32, #tpu.memory_space<vmem>>) dst(%dma_wait3A_187 : memref<16xf32, #tpu.memory_space<hbm>>)
        tpu.yield
      }) : () -> ()
    } else {
    }
    return
  }
}

</mosaic_0001>

<sc_bundles>
// kernel: kernel.3.cloned.1.call-start
scs
__scs_entry_jumppad:
0x0: {  	(pc) =	sbr.rel $0x88, $3  }
0x1: {  	(tag) =	ssettag $0x0;
	lr =	simm.s32 $0x1  }
0x2: {  	[smem:$0x3FA0] =	sst lr;
	_ =	strace $0xD0000000  }
0x3: {  	_ = 	snop  }
0x4: {  	_ = 	snop  }
0x5: {  	_ = 	snop  }
0x6: {  	_ = 	snop  }
0x7: {  	_ = 	snop  }
__scs_overlays_trampoline_lowered:
0x8: {  	[smem:$0x3FAF] =	sst s0  }
0x9: {  	[smem:$0x3FB0] =	sst s1  }
0xa: {  	[smem:$0x3FB1] =	sst s2  }
0xb: {  	[smem:$0x3FB2] =	sst s3  }
0xc: {  	[smem:$0x3FB3] =	sst s4  }
0xd: {  	[smem:$0x3FB4] =	sst s5  }
0xe: {  	[smem:$0x3FB5] =	sst s6  }
0xf: {  	[smem:$0x3FB6] =	sst s7  }
0x10: {  	[smem:$0x3FB7] =	sst s8  }
0x11: {  	[smem:$0x3FB8] =	sst s9;
	s0 =	simm.s32 @!p0 $0x0  }
0x12: {  	s1 =	sld [smem:$0x3F9E];
	s0 =	simm.s32 @p0 $0x1  }
0x13: {  	[smem:$0x3FB9] =	sst s0;
	s0 =	simm.s32 @!p1 $0x0  }
0x14: {  	s2 =	sld [smem:$0x3F9D];
	s0 =	simm.s32 @p1 $0x1  }
0x15: {  	[smem:$0x3FBA] =	sst s0;
	s0 =	simm.s32 @!p2 $0x0  }
0x16: {  	s3 =	sld [smem:$0x3FDB];
	s0 =	simm.s32 @p2 $0x1  }
0x17: {  	s4 =	simm.s32 $0x1BF5;
	[smem:$0x3FBC] =	sst s0  }
0x18: {  	s0 =	sld [smem:$0x3F9F];
	_ =	swait.ge [sflag:s4], $0x0  }
0x19: {  	s7 =	sld [smem:$0x3FA0]  }
0x1a: {  	s8 =	sadd.s32 $0xFFFFE003, lr  }
0x1b: {  	s9 =	sadd.s32 $0xFFFFFEF7, lr;
	s5 =	simm.s32 $0xFFFFFFFF;
	p2 =	slt.u32 s8, $0xFFFFF086  }
0x1c: {  	p1 =	slt.u32 s9, $0xF7A;
	s5 =	simm.s32 @!p2 $0x0  }
0x1d: {  	s5 =	simm.s32 @p1 $0x1;
	p0 =	seq.s32 s7, s2  }
0x1e: {  	s7 =	smul.u32 @!p0 $0xF7A, s2;
	p2 =	seq.s32 @!p0 s5, $0x0  }
0x1f: {  	s9 =	smul.u32 $0xF7A, s1;
	s8 =	simm.s32 @!p0 $0x1BF5;
	p2 =	por !p2, p0  }
0x20: {  	[sflag:s8] =	ssyncset.s32 @!p0 $0xFFFFF086;
	s6 =	sadd.s32 @!p0 s3, s7;
	s7 =	simm.s32 @!p0 $0x108  }
0x21: {  	s3 =	sadd.s32 s3, s9;
	s6 =	sadd.s32 @!p0 $0x88, s6;
	s7 =	simm.s32 @p2 $0x1082  }
0x22: {  	[simem:s7], [sflag:s8] =	dma.local @!p0 [hbm:s6], $0xF7A  }
0x23: {  	s9 =	sor.u32 $0xD0000000, s2;
	s6 =	simm.s32 $0x108;
	_ =	swait.ge @!p0 [sflag:s8], $0x0  }
0x24: {  	s3 =	sadd.s32 $0x88, s3;
	s6 =	simm.s32 @!p1 $0x1082;
	[sflag:s4] =	ssyncset.s32 $0xFFFFF086  }
0x25: {  	[simem:s6], [sflag:s4] =	dma.local [hbm:s3], $0xF7A  }
0x26: {  	[smem:$0x3FA0] =	sst s1;
	(tag) =	ssettag s2;
	_ =	strace s9  }
0x27: {  	s1 =	sld [smem:$0x3FB0]  }
0x28: {  	s2 =	sld [smem:$0x3FB1]  }
0x29: {  	s4 =	sld [smem:$0x3FB3]  }
0x2a: {  	p0 =	seq.s32 s5, $0x0;
	s5 =	sld [smem:$0x3FB4]  }
0x2b: {  	s6 =	sld [smem:$0x3FB5]  }
0x2c: {  	s7 =	sld [smem:$0x3FB6]  }
0x2d: {  	s3 =	simm.s32 $0x108;
	s8 =	sld [smem:$0x3FB7]  }
0x2e: {  	s3 =	simm.s32 @!p0 $0x1082;
	s9 =	sld [smem:$0x3FB8]  }
0x2f: {  	lr =	sadd.s32 s0, s3;
	s0 =	sld [smem:$0x3FAF]  }
0x30: {  	s3 =	sld [smem:$0x3FB2]  }
0x31: {  	[smem:$0x3FBB] =	sst s10  }
0x32: {  	s10 =	sld [smem:$0x3FB9];
	_ =	sdelay $0x3  }
0x33: {  	p0 =	seq.s32 s10, $0x1;
	s10 =	sld [smem:$0x3FBB];
	_ =	sdelay $0x3  }
0x34: {  	[smem:$0x3FBB] =	sst s10  }
0x35: {  	s10 =	sld [smem:$0x3FBA];
	_ =	sdelay $0x3  }
0x36: {  	p1 =	seq.s32 s10, $0x1;
	s10 =	sld [smem:$0x3FBB];
	_ =	sdelay $0x3  }
0x37: {  	[smem:$0x3FBB] =	sst s10  }
0x38: {  	s10 =	sld [smem:$0x3FBC]  }
0x39: {  	_ = 	snop;
	(pc) =	sbr.ind lr, $3  }
0x3a: {  	_ = 	snop  }
0x3b: {  	_ = 	snop  }
0x3c: {  	p2 =	seq.s32 s10, $0x1;
	s10 =	sld [smem:$0x3FBB]  }
0x3d: {  	_ =	shalt  }
0x3e: {  	_ =	shalt  }
0x3f: {  	_ =	shalt  }
0x40: {  	_ =	shalt  }
0x41: {  	_ =	shalt  }
0x42: {  	_ =	shalt  }
0x43: {  	_ =	shalt  }
0x44: {  	_ =	shalt  }
0x45: {  	_ =	shalt  }
0x46: {  	_ =	shalt  }
0x47: {  	_ =	shalt  }
0x48: {  	_ =	shalt  }
0x49: {  	_ =	shalt  }
0x4a: {  	_ =	shalt  }
0x4b: {  	_ =	shalt  }
0x4c: {  	_ =	shalt  }
0x4d: {  	_ =	shalt  }
0x4e: {  	_ =	shalt  }
0x4f: {  	_ =	shalt  }
0x50: {  	_ =	shalt  }
0x51: {  	_ =	shalt  }
0x52: {  	_ =	shalt  }
0x53: {  	_ =	shalt  }
0x54: {  	_ =	shalt  }
0x55: {  	_ =	shalt  }
0x56: {  	_ =	shalt  }
0x57: {  	_ =	shalt  }
0x58: {  	_ =	shalt  }
0x59: {  	_ =	shalt  }
0x5a: {  	_ =	shalt  }
0x5b: {  	_ =	shalt  }
0x5c: {  	_ =	shalt  }
0x5d: {  	_ =	shalt  }
0x5e: {  	_ =	shalt  }
0x5f: {  	_ =	shalt  }
0x60: {  	_ =	shalt  }
0x61: {  	_ =	shalt  }
0x62: {  	_ =	shalt  }
0x63: {  	_ =	shalt  }
0x64: {  	_ =	shalt  }
0x65: {  	_ =	shalt  }
0x66: {  	_ =	shalt  }
0x67: {  	_ =	shalt  }
0x68: {  	_ =	shalt  }
0x69: {  	_ =	shalt  }
0x6a: {  	_ =	shalt  }
0x6b: {  	_ =	shalt  }
0x6c: {  	_ =	shalt  }
0x6d: {  	_ =	shalt  }
0x6e: {  	_ =	shalt  }
0x6f: {  	_ =	shalt  }
0x70: {  	_ =	shalt  }
0x71: {  	_ =	shalt  }
0x72: {  	_ =	shalt  }
0x73: {  	_ =	shalt  }
0x74: {  	_ =	shalt  }
0x75: {  	_ =	shalt  }
0x76: {  	_ =	shalt  }
0x77: {  	_ =	shalt  }
0x78: {  	_ =	shalt  }
0x79: {  	_ =	shalt  }
0x7a: {  	_ =	shalt  }
0x7b: {  	_ =	shalt  }
0x7c: {  	_ =	shalt  }
0x7d: {  	_ =	shalt  }
0x7e: {  	_ =	shalt  }
0x7f: {  	_ =	shalt  }
0x80: {  	_ =	shalt  }
0x81: {  	_ =	shalt  }
0x82: {  	_ =	shalt  }
0x83: {  	_ =	shalt  }
0x84: {  	_ =	shalt  }
0x85: {  	_ =	shalt  }
0x86: {  	_ =	shalt  }
0x87: {  	_ =	shalt  }
.Lfunc_end0:
.L_simem_size_0:
called_computation_lowered:
.L_overlay_start_0:
0x88: {  	s0 =	sld [smem:$0x3FD9]  }
0x89: {  	s1 =	sld [smem:$0x3FFE];
	_ =	sdelay $0x3  }
0x8a: {  	s0 =	sadd.s32 s1, s0  }
0x8b: {  	[smem:$0x3FC7] =	sst s0  }
0x8c: {  	_ = 	snop  }
0x8d: {  	s0 =	sld [smem:$0x3FC9]  }
0x8e: {  	s17 =	sld [smem:$0x3FD0];
	(tm) =	ssettm $0x1  }
0x8f: {  	s2 =	sld [smem:$0x3FFB];
	_ =	sdelay $0x3  }
0x90: {  	_ =	strace s2  }
0x91: {  	s2 =	sld [smem:$0x3FFC];
	_ =	sdelay $0x3  }
0x92: {  	_ =	strace s2  }
0x93: {  	s2 =	sld [smem:$0x3FFD];
	_ =	sdelay $0x3  }
0x94: {  	_ =	strace s2  }
0x95: {  	_ =	strace $0x8FFFFFFF  }
0x96: {  	s18 =	sld [smem:$0x3FDB];
	_ =	sdelay $0x1  }
0x97: {  	s3 =	simm.s32 $_scs_section_size  }
0x98: {  	s4 =	simm.s32 $_size__tile_overlayer_lowered;
	s5 =	simm.s32 $_tile_overlayer_lowered  }
0x99: {  	s21 =	simm.s32 $0x1BFF;
	s20 =	sshll.u32 s5, $0x1;
	s2 =	sadd.s32 s3, s18  }
0x9a: {  	s6 =	simm.s32 $0x0;
	s19 =	sshll.u32 s4, $0x1;
	s4 =	sadd.s32 s20, s2  }
0x9b: {  	[timem:s6], [sflag:s21] =	dma.local [hbm:s4], s19  }
0x9c: {  	_ =	swait.ge [sflag:s21], s19  }
0x9d: {  	s3 =	ssub.s32 $0x0, s19;
	[sflag:s21] =	ssyncset.done $0x0  }
0x9e: {  	[sflag:s21] =	ssyncadd.s32 s3;
	_ =	sdelay $0x1  }
0x9f: {  	s22 =	simm.s32 $0x1B8B  }
0xa0: {  	_ =	swait.ge [sflag:s22], $0x1  }
0xa1: {  	[sflag:s22] =	ssyncset.done $0x0  }
0xa2: {  	s23 =	simm.s32 $0x1B8E;
	[sflag:s22] =	ssyncadd.s32 $0xFFFFFFFF  }
0xa3: {  	s24 =	simm.s32 $execute0_lowered;
	[smem:$0x3FD2] =	sst s23  }
0xa4: {  	s3 =	sshll.u32 s24, $0x1;
	_ =	strace $0x80000046;
	[dreg:$0x1] =	wrdreg $0xFFFFFFFF  }
0xa5: {  	s25 =	simm.s32 $_size_execute0_lowered;
	s2 =	sadd.s32 s2, s3;
	[dreg:$0x0] =	wrdreg $0x0  }
0xa6: {  	s3 =	sshll.u32 s25, $0x1;
	[dreg:$0x2] =	wrdreg s2  }
0xa7: {  	[dreg:$0x3] =	wrdreg s3  }
0xa8: {  	[dreg:$0x4] =	wrdreg $0xC0  }
0xa9: {  	_ =	task [dreg:s6], $0x5FFFF  }
0xaa: {  	[dreg:$0x1] =	wrdreg $0xFFFFFFFF  }
0xab: {  	[dreg:$0x0] =	wrdreg $0x60  }
0xac: {  	[dreg:$0x2] =	wrdreg s0  }
0xad: {  	[dreg:$0x3] =	wrdreg s17  }
0xae: {  	[dreg:$0x4] =	wrdreg $0x12800  }
0xaf: {  	[dreg:$0x5] =	wrdreg $0x9  }
0xb0: {  	_ =	task.clear_ibuf [dreg:s6], $0x6FFFF;
	_ =	strace $0x90000046  }
0xb1: {  	s26 =	simm.s32 $0x9;
	_ =	strace $0x80000048  }
0xb2: {  	_ =	swait.ge [sflag:s26], $0x1  }
0xb3: {  	[sflag:s26] =	ssyncadd.s32 $0xFFFFFFFF  }
0xb4: {  	_ =	strace $0x90000048  }
0xb5: {  	_ =	sfence  }
0xb6: {  	s28 =	sld [smem:$0x0];
	_ =	sdelay $0x1  }
0xb7: {  	s29 =	srdreg.scid  }
0xb8: {  	s30 =	sshll.u32 s29, $0xD;
	s31 =	sshrl.u32 s29, $0x2  }
0xb9: {  	s1 =	sand.u32 $0x1, s29;
	s2 =	sand.u32 $0x4000, s30;
	s0 =	sadd.s32 s31, s28  }
0xba: {  	s1 =	sor.u32 s2, s1;
	s0 =	sshll.u32 s0, $0x11  }
0xbb: {  	s0 =	sor.u32 s0, s1  }
0xbc: {  	s0 =	sadd.s32 $0x8F2B, s0  }
0xbd: {  	[sflag:s0] =	ssyncadd.remote.s32 $0x1  }
0xbe: {  	_ =	sfence.sel $0xFFFF  }
0xbf: {  	[dreg:$0x0] =	wrdreg $0xFFFFFFFF;
	(pc) =	sbr.abs _section_cstart, $3  }
0xc0: {  	[dreg:$0x1] =	wrdreg $0xFFFFFFFF  }
0xc1: {  	_ =	task.clear_ibuf [dreg:s6], $0x2FFFF;
	_ =	strace $0x9FFFFFFF  }
0xc2: {  	(tm) =	ssettm $0x7FFFFFFF  }
0xc3: {  	_ =	shalt  }
tec
execute0_lowered:
.L_overlay_start_1:
0x0: {  	(tag) =	ssettag $0x1  }
0x1: {  	s5 =	rddreg [dreg:$0x0]  }
0x2: {  	s2 =	rddreg [dreg:$0x1]  }
0x3: {  	s3 =	rddreg [dreg:$0x2];
	s6 =	simm.s32 $0x0;
	s1 =	stileid.u32  }
0x4: {  	[smem:$0x7FF] =	sst s6;
	s4 =	sshll.u32 s1, $0x8  }
0x5: {  	s0 =	rddreg [dreg:$0x3];
	_ =	strace $0x80000047;
	s5 =	sadd.s32 s5, s4  }
0x6: {  	[tilespmem:s6], [sflag:$0x1] =	stream.linear.gather [hbm4b:s5+s6], $0x400, $0x38;
	[tilespmem:$0x12A0] =	vst v63  }
0x7: {  	s7 =	simm.s32 $0x400;
	s5 =	sadd.s32 $0x80, s5  }
0x8: {  	[tilespmem:s7], [sflag:$0x2] =	stream.linear.gather [hbm4b:s5+s6], $0x400, $0x38;
	[tilespmem:$0x12A0] =	vst v63  }
0x9: {  	v0 =	vimm.f32 $0.0e+00;
	s5 =	simm.s32 $0x840  }
0xa: {  	[tilespmem:s5+$0xFFFFFFC0] =	vst v0  }
0xb: {  	[tilespmem:s5+$0x30] =	vst v0  }
0xc: {  	[tilespmem:s5+$0x20] =	vst v0  }
0xd: {  	[tilespmem:s5+$0x10] =	vst v0  }
0xe: {  	[tilespmem:s5+$0x0] =	vst v0  }
0xf: {  	[tilespmem:s5+$0xFFFFFFF0] =	vst v0  }
0x10: {  	s6 =	simm.s32 $0x0;
	[tilespmem:s5+$0xFFFFFFE0] =	vst v0  }
.LBB2_1:
0x11: {  	s6 =	sadd.s32 $0x8, s6;
	[tilespmem:s5+$0xFFFFFFD0] =	vst v0;
	s5 =	sadd.s32 $0x80, s5  }
0x12: {  	[tilespmem:s5+$0xFFFFFFC0] =	vst v0;
	p0 =	slt.u32 s6, $0x78  }
0x13: {  	[tilespmem:s5+$0x30] =	vst v0  }
.Ltmp0:
0x14: {  	[tilespmem:s5+$0x20] =	vst v0;
	(pc) =	sbr.rel @p0 .LBB2_1-.Ltmp0, $4  }
0x15: {  	[tilespmem:s5+$0x10] =	vst v0  }
0x16: {  	[tilespmem:s5+$0x0] =	vst v0  }
0x17: {  	[tilespmem:s5+$0xFFFFFFF0] =	vst v0  }
0x18: {  	[tilespmem:s5+$0xFFFFFFE0] =	vst v0  }
0x19: {  	[tilespmem:s5+$0xFFFFFFD0] =	vst v0;
	s24 =	simm.s32 $0x1  }
0x1a: {  	_ =	swait.ge [sflag:s24], $0x400  }
0x1b: {  	[sflag:s24] =	ssyncset.done $0x0  }
0x1c: {  	s6 =	simm.s32 $0x60;
	[sflag:s24] =	ssyncadd.s32 $0xFFFFFC00  }
0x1d: {  	v2 =	vld [tilespmem:s6+$0xFFFFFFA0]  }
0x1e: {  	v5 =	vld [tilespmem:s6+$0x60]  }
0x1f: {  	v3 =	vld [tilespmem:s6+$0xFFFFFFE0]  }
0x20: {  	v6 =	vld [tilespmem:s6+$0x20]  }
0x21: {  	v0 =	vld [tilespmem:s6+$0x30]  }
0x22: {  	v13 =	vimm.f32 $+Inf;
	v1 =	vld [tilespmem:s6+$0x40]  }
0x23: {  	v4 =	vld [tilespmem:s6+$0xFFFFFFF0];
	vm0 =	vlt.f32 v2, v13  }
0x24: {  	v15 =	vld [tilespmem:s6+$0xFFFFFFC0];
	v2 =	vsel vm0, v2, v13  }
0x25: {  	v16 =	vld [tilespmem:s6+$0xFFFFFFD0];
	vm1 =	vlt.f32 v3, v2  }
0x26: {  	s25 =	simm.s32 $0x0;
	v14 =	vld [tilespmem:s6+$0xFFFFFFB0];
	v2 =	vsel vm1, v3, v2;
	v3 =	vimm.s32 $0x0  }
0x27: {  	s7 =	simm.s32 $0x4;
	v8 =	vld [tilespmem:s6+$0x0];
	vm2 =	vlt.f32 v6, v2;
	v7 =	vsel vm0, s25, v3  }
0x28: {  	s5 =	simm.s32 $0xC0;
	s26 =	simm.s32 $0x8;
	v11 =	vld [tilespmem:s6+$0x10];
	v2 =	vsel vm2, v6, v2;
	v6 =	vsel vm1, s7, v7  }
0x29: {  	s29 =	sor.u32 $0x50, s5;
	v10 =	vld [tilespmem:s6+$0x50];
	vm1 =	vlt.f32 v15, v13;
	vm0 =	vlt.f32 v5, v2;
	v6 =	vsel vm2, s26, v6  }
0x2a: {  	s28 =	simm.s32 $0xC;
	s30 =	sor.u32 $0x60, s5;
	v9 =	vld [tilespmem:s29+$0x0];
	vm2 =	vlt.f32 v16, v13;
	v15 =	vsel vm1, v15, v13;
	v7 =	vsel vm0, v5, v2  }
0x2b: {  	s8 =	simm.s32 $0x0;
	s31 =	sor.u32 $0x70, s5;
	v12 =	vld [tilespmem:s30+$0x0];
	v2 =	vsel vm0, s28, v6;
	vm0 =	vlt.f32 v14, v13;
	v16 =	vsel vm2, v16, v13  }
0x2c: {  	s9 =	simm.s32 $0x160;
	s6 =	simm.s32 $0xF;
	s7 =	simm.s32 $0xF;
	v6 =	vimm.s32 $0x0;
	v5 =	vimm.s32 $0x0;
	v14 =	vsel vm0, v14, v13;
	v13 =	vld [tilespmem:s31+$0x0]  }
.LBB2_3:
0x2d: {  	v17 =	vld [tilespmem:s9+$0x60];
	vm3 =	vlt.f32 v4, v14;
	vm6 =	vlt.f32 v8, v15;
	vm7 =	vlt.f32 v11, v16  }
0x2e: {  	v18 =	vld [tilespmem:s9+$0xFFFFFFA0];
	v4 =	vsel vm3, v4, v14;
	v8 =	vsel vm6, v8, v15;
	v11 =	vsel vm7, v11, v16  }
0x2f: {  	v14 =	vld [tilespmem:s9+$0x20];
	vm4 =	vlt.f32 v0, v4;
	vm8 =	vlt.f32 v1, v8;
	vm9 =	vlt.f32 v10, v11  }
0x30: {  	v15 =	vld [tilespmem:s9+$0xFFFFFFE0];
	v4 =	vsel vm4, v0, v4;
	v8 =	vsel vm8, v1, v8;
	v10 =	vsel vm9, v10, v11  }
0x31: {  	v0 =	vld [tilespmem:s9+$0x30];
	vm5 =	vlt.f32 v9, v4;
	vm10 =	vlt.f32 v12, v8;
	vm11 =	vlt.f32 v13, v10  }
0x32: {  	s10 =	sadd.s32 $0xFFFFFFF3, s7;
	s11 =	sadd.s32 $0xFFFFFFF4, s7;
	v1 =	vld [tilespmem:s9+$0x40];
	v16 =	vsel vm5, v9, v4;
	v19 =	vsel vm10, v12, v8;
	v13 =	vsel vm11, v13, v10  }
0x33: {  	v3 =	vsel vm1, s10, v3;
	v6 =	vsel vm2, s11, v6;
	s10 =	sadd.s32 $0xFFFFFFF7, s7;
	s11 =	sadd.s32 $0xFFFFFFF8, s7;
	vm12 =	vlt.f32 v18, v7;
	v4 =	vld [tilespmem:s9+$0xFFFFFFF0]  }
0x34: {  	v3 =	vsel vm6, s10, v3;
	v6 =	vsel vm7, s11, v6;
	s10 =	sadd.s32 $0xFFFFFFFB, s7;
	s11 =	sadd.s32 $0xFFFFFFFC, s7;
	v7 =	vsel vm12, v18, v7;
	v18 =	vld [tilespmem:s9+$0xFFFFFFB0]  }
0x35: {  	s8 =	sadd.s32 $0x4, s8;
	s7 =	sadd.s32 $0x10, s7;
	v3 =	vsel vm8, s10, v3;
	v6 =	vsel vm9, s11, v6;
	s10 =	sadd.s32 $0xFFFFFFFF, s6;
	v20 =	vld [tilespmem:s9+$0xFFFFFFC0];
	vm1 =	vlt.f32 v15, v7  }
0x36: {  	s12 =	sadd.s32 $0xFFFFFFF2, s6;
	s5 =	sadd.s32 $0x100, s5;
	s11 =	sadd.s32 $0xFFFFFFF1, s7;
	v3 =	vsel vm10, s10, v3;
	v6 =	vsel vm11, s6, v6;
	v21 =	vld [tilespmem:s9+$0xFFFFFFD0];
	v7 =	vsel vm1, v15, v7  }
0x37: {  	p0 =	slt.u32 s8, $0xC;
	v5 =	vsel vm0, s12, v5;
	s10 =	sadd.s32 $0xFFFFFFF5, s7;
	v2 =	vsel vm12, s11, v2;
	s11 =	sadd.s32 $0xFFFFFFF6, s6;
	v8 =	vld [tilespmem:s9+$0x0];
	vm2 =	vlt.f32 v14, v7  }
.Ltmp1:
0x38: {  	v5 =	vsel vm3, s11, v5;
	s11 =	sadd.s32 $0xFFFFFFFA, s6;
	v2 =	vsel vm1, s10, v2;
	s10 =	sadd.s32 $0xFFFFFFF9, s7;
	v11 =	vld [tilespmem:s9+$0x10];
	v7 =	vsel vm2, v14, v7;
	(pc) =	sbr.rel @p0 .LBB2_3-.Ltmp1, $4  }
0x39: {  	s12 =	sor.u32 $0x50, s5;
	s6 =	sadd.s32 $0xFFFFFFFE, s6;
	v5 =	vsel vm4, s11, v5;
	v2 =	vsel vm2, s10, v2;
	s10 =	sadd.s32 $0xFFFFFFFD, s7;
	v10 =	vld [tilespmem:s9+$0x50];
	vm0 =	vlt.f32 v17, v7  }
0x3a: {  	v5 =	vsel vm5, s6, v5;
	s6 =	smov.u32 s7;
	v7 =	vsel vm0, v17, v7;
	v2 =	vsel vm0, s10, v2;
	v9 =	vld [tilespmem:s12+$0x0];
	s10 =	sor.u32 $0x60, s5  }
0x3b: {  	vm0 =	vlt.f32 v18, v16;
	vm1 =	vlt.f32 v20, v19;
	vm2 =	vlt.f32 v21, v13;
	v12 =	vld [tilespmem:s10+$0x0];
	s10 =	sor.u32 $0x70, s5  }
0x3c: {  	s9 =	sadd.s32 $0x100, s9;
	v14 =	vsel vm0, v18, v16;
	v15 =	vsel vm1, v20, v19;
	v16 =	vsel vm2, v21, v13;
	v13 =	vld [tilespmem:s10+$0x0]  }
0x3d: {  	s5 =	simm.s32 $0x2  }
0x3e: {  	_ =	swait.ge [sflag:s5], $0x400  }
0x3f: {  	[sflag:s5] =	ssyncset.done $0x0  }
0x40: {  	vm3 =	vlt.f32 v4, v14;
	[sflag:s5] =	ssyncadd.s32 $0xFFFFFC00;
	s5 =	simm.s32 $0x4C0  }
0x41: {  	vm6 =	vlt.f32 v8, v15;
	vm7 =	vlt.f32 v11, v16;
	s8 =	sadd.s32 $0xFFFFFFF3, s7;
	v4 =	vsel vm3, v4, v14;
	v17 =	vld [tilespmem:s5+$0x0]  }
0x42: {  	s20 =	sadd.s32 $0xFFFFFFF2, s6;
	v8 =	vsel vm6, v8, v15;
	v11 =	vsel vm7, v11, v16;
	v3 =	vsel vm1, s8, v3;
	v14 =	vld [tilespmem:s5+$0xFFFFFF40]  }
0x43: {  	v5 =	vsel vm0, s20, v5;
	vm8 =	vlt.f32 v1, v8;
	vm9 =	vlt.f32 v10, v11;
	v15 =	vld [tilespmem:s5+$0xFFFFFFC0]  }
0x44: {  	s15 =	sadd.s32 $0xFFFFFFF7, s7;
	s22 =	sadd.s32 $0xFFFFFFF6, s6;
	vm4 =	vlt.f32 v0, v4;
	v1 =	vsel vm8, v1, v8;
	v8 =	vsel vm9, v10, v11;
	v10 =	vld [tilespmem:s5+$0xFFFFFF80]  }
0x45: {  	s17 =	sadd.s32 $0xFFFFFFFB, s7;
	s24 =	sadd.s32 $0xFFFFFFFA, s6;
	v3 =	vsel vm6, s15, v3;
	v5 =	vsel vm3, s22, v5;
	v4 =	vsel vm4, v0, v4;
	v0 =	vld [tilespmem:s5+$0xFFFFFFD0]  }
0x46: {  	v3 =	vsel vm8, s17, v3;
	v5 =	vsel vm4, s24, v5;
	v19 =	vld [tilespmem:s5+$0xFFFFFF60]  }
0x47: {  	s9 =	sadd.s32 $0xFFFFFFF4, s7;
	vm5 =	vlt.f32 v9, v4;
	vm10 =	vlt.f32 v12, v1;
	vm11 =	vlt.f32 v13, v8;
	v20 =	vld [tilespmem:s5+$0xFFFFFF70]  }
0x48: {  	s16 =	sadd.s32 $0xFFFFFFF8, s7;
	v11 =	vld [tilespmem:s5+$0xFFFFFFB0];
	v16 =	vsel vm5, v9, v4;
	v4 =	vsel vm2, s9, v6;
	vm1 =	vlt.f32 v14, v7  }
0x49: {  	s18 =	sadd.s32 $0xFFFFFFFC, s7;
	v18 =	vsel vm10, v12, v1;
	v1 =	vld [tilespmem:s5+$0xFFFFFFE0];
	v4 =	vsel vm7, s16, v4;
	v7 =	vsel vm1, v14, v7  }
0x4a: {  	s19 =	sadd.s32 $0xFFFFFFFF, s6;
	v13 =	vsel vm11, v13, v8;
	v4 =	vsel vm9, s18, v4;
	v14 =	vld [tilespmem:s5+$0xFFFFFF50];
	vm2 =	vlt.f32 v10, v7  }
0x4b: {  	s21 =	simm.s32 $0x40;
	v6 =	vld [tilespmem:s5+$0xFFFFFF90];
	v3 =	vsel vm10, s19, v3;
	v4 =	vsel vm11, s6, v4;
	v7 =	vsel vm2, v10, v7  }
0x4c: {  	s23 =	simm.s32 $0x44;
	v8 =	vld [tilespmem:s5+$0xFFFFFFA0];
	v2 =	vsel vm1, s21, v2;
	vm1 =	vlt.f32 v19, v18;
	vm0 =	vlt.f32 v15, v7  }
0x4d: {  	s25 =	simm.s32 $0x48;
	s26 =	sadd.s32 $0xFFFFFFFE, s6;
	s30 =	sor.u32 $0x60, s5;
	v9 =	vld [tilespmem:s5+$0xFFFFFFF0];
	v2 =	vsel vm2, s23, v2;
	vm2 =	vlt.f32 v20, v13;
	v10 =	vsel vm0, v15, v7  }
0x4e: {  	s28 =	simm.s32 $0x4C;
	s29 =	sor.u32 $0x50, s5;
	v12 =	vld [tilespmem:s30+$0x0];
	v2 =	vsel vm0, s25, v2;
	v7 =	vsel vm5, s26, v5;
	vm0 =	vlt.f32 v17, v10  }
0x4f: {  	s7 =	simm.s32 $0x4F;
	s31 =	sor.u32 $0x70, s5;
	v5 =	vsel vm0, v17, v10;
	v2 =	vsel vm0, s28, v2;
	v10 =	vld [tilespmem:s29+$0x0];
	vm0 =	vlt.f32 v14, v16  }
0x50: {  	s8 =	simm.s32 $0x10;
	s9 =	simm.s32 $0x5C0;
	s6 =	simm.s32 $0x4F;
	v15 =	vsel vm1, v19, v18;
	v14 =	vsel vm0, v14, v16;
	v16 =	vsel vm2, v20, v13;
	v13 =	vld [tilespmem:s31+$0x0]  }
.LBB2_5:
0x51: {  	v17 =	vld [tilespmem:s9+$0x0];
	vm3 =	vlt.f32 v6, v14;
	vm6 =	vlt.f32 v8, v15;
	vm7 =	vlt.f32 v11, v16  }
0x52: {  	v18 =	vld [tilespmem:s9+$0xFFFFFF40];
	v6 =	vsel vm3, v6, v14;
	v8 =	vsel vm6, v8, v15;
	v11 =	vsel vm7, v11, v16  }
0x53: {  	v14 =	vld [tilespmem:s9+$0xFFFFFFC0];
	vm4 =	vlt.f32 v0, v6;
	vm8 =	vlt.f32 v1, v8;
	vm9 =	vlt.f32 v9, v11  }
0x54: {  	v15 =	vld [tilespmem:s9+$0xFFFFFF80];
	v6 =	vsel vm4, v0, v6;
	v8 =	vsel vm8, v1, v8;
	v9 =	vsel vm9, v9, v11  }
0x55: {  	v0 =	vld [tilespmem:s9+$0xFFFFFFD0];
	vm5 =	vlt.f32 v10, v6;
	vm10 =	vlt.f32 v12, v8;
	vm11 =	vlt.f32 v13, v9  }
0x56: {  	s10 =	sadd.s32 $0xFFFFFFF3, s6;
	s11 =	sadd.s32 $0xFFFFFFF4, s6;
	v1 =	vld [tilespmem:s9+$0xFFFFFFE0];
	v16 =	vsel vm5, v10, v6;
	v19 =	vsel vm10, v12, v8;
	v13 =	vsel vm11, v13, v9  }
0x57: {  	v3 =	vsel vm1, s10, v3;
	v4 =	vsel vm2, s11, v4;
	s10 =	sadd.s32 $0xFFFFFFF7, s6;
	s11 =	sadd.s32 $0xFFFFFFF8, s6;
	vm12 =	vlt.f32 v18, v5;
	v6 =	vld [tilespmem:s9+$0xFFFFFF90]  }
0x58: {  	v3 =	vsel vm6, s10, v3;
	v4 =	vsel vm7, s11, v4;
	s10 =	sadd.s32 $0xFFFFFFFB, s6;
	s11 =	sadd.s32 $0xFFFFFFFC, s6;
	v5 =	vsel vm12, v18, v5;
	v18 =	vld [tilespmem:s9+$0xFFFFFF50]  }
0x59: {  	s8 =	sadd.s32 $0x4, s8;
	s6 =	sadd.s32 $0x10, s6;
	v3 =	vsel vm8, s10, v3;
	v4 =	vsel vm9, s11, v4;
	s10 =	sadd.s32 $0xFFFFFFFF, s7;
	v20 =	vld [tilespmem:s9+$0xFFFFFF60];
	vm1 =	vlt.f32 v15, v5  }
0x5a: {  	s12 =	sadd.s32 $0xFFFFFFF2, s7;
	s5 =	sadd.s32 $0x100, s5;
	s11 =	sadd.s32 $0xFFFFFFF1, s6;
	v3 =	vsel vm10, s10, v3;
	v4 =	vsel vm11, s7, v4;
	v21 =	vld [tilespmem:s9+$0xFFFFFF70];
	v5 =	vsel vm1, v15, v5  }
0x5b: {  	p0 =	slt.u32 s8, $0x1C;
	v7 =	vsel vm0, s12, v7;
	s10 =	sadd.s32 $0xFFFFFFF5, s6;
	v2 =	vsel vm12, s11, v2;
	s11 =	sadd.s32 $0xFFFFFFF6, s7;
	v8 =	vld [tilespmem:s9+$0xFFFFFFA0];
	vm2 =	vlt.f32 v14, v5  }
.Ltmp2:
0x5c: {  	v7 =	vsel vm3, s11, v7;
	s11 =	sadd.s32 $0xFFFFFFFA, s7;
	v2 =	vsel vm1, s10, v2;
	s10 =	sadd.s32 $0xFFFFFFF9, s6;
	v11 =	vld [tilespmem:s9+$0xFFFFFFB0];
	v5 =	vsel vm2, v14, v5;
	(pc) =	sbr.rel @p0 .LBB2_5-.Ltmp2, $4  }
0x5d: {  	s12 =	sor.u32 $0x50, s5;
	s7 =	sadd.s32 $0xFFFFFFFE, s7;
	v7 =	vsel vm4, s11, v7;
	v2 =	vsel vm2, s10, v2;
	s10 =	sadd.s32 $0xFFFFFFFD, s6;
	v9 =	vld [tilespmem:s9+$0xFFFFFFF0];
	vm0 =	vlt.f32 v17, v5  }
0x5e: {  	v7 =	vsel vm5, s7, v7;
	s7 =	smov.u32 s6;
	v5 =	vsel vm0, v17, v5;
	v2 =	vsel vm0, s10, v2;
	v10 =	vld [tilespmem:s12+$0x0];
	s10 =	sor.u32 $0x60, s5  }
0x5f: {  	vm0 =	vlt.f32 v18, v16;
	vm1 =	vlt.f32 v20, v19;
	vm2 =	vlt.f32 v21, v13;
	v12 =	vld [tilespmem:s10+$0x0];
	s10 =	sor.u32 $0x70, s5  }
0x60: {  	s9 =	sadd.s32 $0x100, s9;
	v14 =	vsel vm0, v18, v16;
	v15 =	vsel vm1, v20, v19;
	v16 =	vsel vm2, v21, v13;
	v13 =	vld [tilespmem:s10+$0x0]  }
0x61: {  	vm3 =	vlt.f32 v6, v14;
	vm4 =	vlt.f32 v8, v15;
	vm5 =	vlt.f32 v11, v16  }
0x62: {  	s5 =	sadd.s32 $0xFFFFFFF3, s6;
	s8 =	sadd.s32 $0xFFFFFFF4, s6;
	s29 =	sadd.s32 $0xFFFFFFF2, s7;
	v6 =	vsel vm3, v6, v14;
	v8 =	vsel vm4, v8, v15;
	v11 =	vsel vm5, v11, v16  }
0x63: {  	v3 =	vsel vm1, s5, v3;
	v4 =	vsel vm2, s8, v4;
	v7 =	vsel vm0, s29, v7  }
0x64: {  	s28 =	sadd.s32 $0xFFFFFFF7, s6;
	s30 =	sadd.s32 $0xFFFFFFF8, s6;
	s31 =	sadd.s32 $0xFFFFFFF6, s7;
	vm6 =	vlt.f32 v0, v6;
	vm7 =	vlt.f32 v1, v8;
	vm8 =	vlt.f32 v9, v11  }
0x65: {  	v3 =	vsel vm4, s28, v3;
	v4 =	vsel vm5, s30, v4;
	v7 =	vsel vm3, s31, v7  }
0x66: {  	s9 =	sadd.s32 $0xFFFFFFFB, s6;
	s10 =	sadd.s32 $0xFFFFFFFC, s6;
	s11 =	sadd.s32 $0xFFFFFFFA, s7;
	v0 =	vsel vm6, v0, v6;
	v1 =	vsel vm7, v1, v8;
	v6 =	vsel vm8, v9, v11  }
0x67: {  	v3 =	vsel vm7, s9, v3;
	v4 =	vsel vm8, s10, v4;
	v7 =	vsel vm6, s11, v7  }
0x68: {  	vm9 =	vlt.f32 v10, v0;
	vm10 =	vlt.f32 v12, v1;
	vm11 =	vlt.f32 v13, v6  }
0x69: {  	s12 =	sadd.s32 $0xFFFFFFFF, s7;
	s13 =	sadd.s32 $0xFFFFFFFE, s7;
	v0 =	vsel vm9, v10, v0;
	v1 =	vsel vm10, v12, v1;
	v6 =	vsel vm11, v13, v6  }
0x6a: {  	v3 =	vsel vm10, s12, v3;
	v4 =	vsel vm11, s7, v4;
	v7 =	vsel vm9, s13, v7  }
0x6b: {  	vm0 =	vlt.f32 v0, v5;
	vm1 =	veq.f32 v0, v5;
	vm2 =	vlt.s32 v7, v2  }
0x6c: {  	vm3 =	vlt.s32 v4, v3;
	vm1 =	vmand vm1, vm2;
	vm2 =	veq.f32 v6, v1  }
0x6d: {  	vm0 =	vmor vm0, vm1;
	vm1 =	vlt.f32 v6, v1;
	vm2 =	vmand vm2, vm3  }
0x6e: {  	v0 =	vsel vm0, v0, v5;
	vm1 =	vmor vm1, vm2  }
0x6f: {  	v2 =	vsel vm0, v7, v2;
	v1 =	vsel vm1, v6, v1;
	v3 =	vsel vm1, v4, v3  }
0x70: {  	vm0 =	veq.f32 v1, v0;
	vm1 =	vlt.s32 v3, v2  }
0x71: {  	vm2 =	vlt.f32 v1, v0;
	vm0 =	vmand vm0, vm1  }
0x72: {  	vm0 =	vmor vm2, vm0  }
0x73: {  	v1 =	vsel vm0, v1, v0  }
0x74: {  	(xrf0) =	vmin.scan.msk.f32 $0xffff, v1;
	_ =	sdelay $0x5  }
0x75: {  	v0 =	vsel vm0, v3, v2;
	v2, _, _ =	vpop (xrf0)  }
0x76: {  	s5 =	sshll.u32 s1, $0xB;
	v3 =	vshll.u32 v0, $0x4;
	v0 =	vlaneseq.u32;
	v2 =	vbroadcast v2, $0xF  }
0x77: {  	v3 =	vadd.s32 s5, v3;
	v4 =	vor.u32 $0x80000000, v0  }
0x78: {  	vm0 =	veq.f32 v1, v2;
	v1 =	vxor.u32 v4, v3  }
0x79: {  	v1 =	vnsel vm0, $0xFFFFFFFF, v1  }
0x7a: {  	(xrf0) =	vmin.scan.msk.u32 $0xffff, v1;
	_ =	sdelay $0x5  }
0x7b: {  	v1, _, _ =	vpop (xrf0)  }
0x7c: {  	(v2sf) =	vpush v1, $0xF;
	_ =	sdelay $0xe  }
0x7d: {  	s14 =	spop (v2sf)  }
0x7e: {  	s6 =	sxor.u32 $0x80000000, s14  }
0x7f: {  	v1 =	vmov s6  }
0x80: {  	v1 =	vcvt.s32.f32 v1;
	_ =	sdelay $0x1  }
0x81: {  	v1 =	vbroadcast v1, $0x0  }
0x82: {  	s15 =	sshll.u32 s1, $0x5;
	[tilespmem:$0x1000] =	vst v2  }
0x83: {  	s16 =	simm.s32 $0x1000;
	s17 =	simm.s32 $0x3;
	s6 =	sadd.s32 s15, s3;
	[tilespmem:$0x1010] =	vst v1  }
0x84: {  	[spmem:s6] =	stream.linear.scatter [tilespmem:s16], [sflag:$0x3], $0x20, $0x38;
	[tilespmem:$0x12A0] =	vst v63  }
0x85: {  	_ =	swait.ge [sflag:s17], $0x20  }
0x86: {  	s4 =	sadd.s32 s2, s4;
	[sflag:s17] =	ssyncset.done $0x0  }
0x87: {  	s18 =	simm.s32 $0x0;
	s19 =	simm.s32 $0x800;
	[sflag:s17] =	ssyncadd.s32 $0xFFFFFFE0  }
0x88: {  	[hbm4b:s4+s18] =	stream.linear.scatter [tilespmem:s19], [sflag:$0x1], $0x800, $0x38;
	[tilespmem:$0x12A0] =	vst v63  }
0x89: {  	s20 =	simm.s32 $0x1080;
	[bflag:$0x0] =	sbarrier.arrive $0xFFFF  }
0x8a: {  	[tilespmem:s20], [sflag:$0x3] =	stream.linear.gather [spmem:s3], $0x200, $0x38;
	[tilespmem:$0x12A0] =	vst v63  }
0x8b: {  	_ =	swait.ge [sflag:s17], $0x200  }
0x8c: {  	[sflag:s17] =	ssyncset.done $0x0  }
0x8d: {  	s21 =	simm.s32 $0x10C0;
	[sflag:s17] =	ssyncadd.s32 $0xFFFFFE00  }
0x8e: {  	v1 =	vld [tilespmem:s21+$0x20]  }
0x8f: {  	v7 =	vld [tilespmem:s21+$0x0]  }
0x90: {  	v6 =	vld [tilespmem:s21+$0xFFFFFFE0]  }
0x91: {  	s22 =	simm.s32 $0x20;
	v4 =	vld [tilespmem:s21+$0xFFFFFFC0]  }
0x92: {  	s24 =	simm.s32 $0x40;
	s23 =	sor.u32 $0x30, s22;
	v8 =	vld [tilespmem:s21+$0xFFFFFFD0]  }
0x93: {  	s25 =	simm.s32 $0x60;
	s26 =	sor.u32 $0x50, s24;
	v9 =	vld [tilespmem:s23+$0x1080]  }
0x94: {  	v60 =	vimm.f32 $0.0e+00;
	s29 =	sor.u32 $0x70, s25;
	s28 =	simm.s32 $0x3;
	s30 =	simm.s32 $0x1;
	v11 =	vld [tilespmem:s26+$0x1080]  }
0x95: {  	s31 =	simm.s32 $0x2;
	v61 =	vmov s28;
	v62 =	vmov s30;
	v5 =	vmov s18;
	s3 =	simm.s32 $0x1140;
	v2 =	vld [tilespmem:s29+$0x1080]  }
0x96: {  	v63 =	vmov s31;
	v10 =	vimm.f32 $+Inf;
	vm0 =	veq.s32 v5, v0;
	v3 =	vld [tilespmem:s3+$0x20]  }
0x97: {  	v5 =	vld [tilespmem:s3+$0x0];
	v10 =	vsel vm0, v4, v10;
	v8 =	vsel vm0, v8, v60;
	vm0 =	veq.s32 v62, v0  }
0x98: {  	s8 =	simm.s32 $0xA0;
	v4 =	vld [tilespmem:s3+$0xFFFFFFE0];
	v10 =	vsel vm0, v6, v10;
	v9 =	vsel vm0, v9, v8;
	vm0 =	veq.s32 v63, v0  }
0x99: {  	s7 =	simm.s32 $0x8;
	s6 =	simm.s32 $0x4;
	s4 =	simm.s32 $0xE0;
	v6 =	vld [tilespmem:s3+$0xFFFFFFC0];
	v8 =	vsel vm0, v7, v10;
	v7 =	vsel vm0, v11, v9;
	vm0 =	veq.s32 v61, v0  }
.LBB2_7:
0x9a: {  	p0 =	slt.u32 s7, $0xC;
	v9 =	vld [tilespmem:s3+$0xFFFFFFD0];
	s8 =	sor.u32 $0x30, s8;
	s9 =	sadd.s32 $0xFFFFFFE0, s4;
	v8 =	vsel vm0, v1, v8;
	v7 =	vsel vm0, v2, v7  }
0x9b: {  	v10 =	vld [tilespmem:s8+$0x1080];
	s8 =	sor.u32 $0x50, s9;
	v1 =	vmov v3  }
0x9c: {  	s10 =	sadd.s32 $0x1, s6;
	s9 =	sor.u32 $0x70, s4;
	v11 =	vld [tilespmem:s8+$0x1080];
	s8 =	sadd.s32 $0x3, s6;
	v12 =	vmov v5  }
.Ltmp3:
0x9d: {  	s3 =	sadd.s32 $0x80, s3;
	v5 =	vmov s6;
	s6 =	sadd.s32 $0x2, s6;
	v13 =	vmov s8;
	v2 =	vld [tilespmem:s9+$0x1080];
	(pc) =	sbr.rel @p0 .LBB2_7-.Ltmp3, $4  }
0x9e: {  	v14 =	vmov s10;
	vm0 =	veq.s32 v5, v0;
	v15 =	vmov s6;
	s6 =	smov.u32 s7;
	v3 =	vld [tilespmem:s3+$0x20]  }
0x9f: {  	v6 =	vsel vm0, v6, v8;
	v5 =	vld [tilespmem:s3+$0x0];
	v7 =	vsel vm0, v9, v7;
	vm0 =	veq.s32 v14, v0  }
0xa0: {  	s4 =	sadd.s32 $0x80, s4;
	v8 =	vsel vm0, v4, v6;
	v4 =	vld [tilespmem:s3+$0xFFFFFFE0];
	v7 =	vsel vm0, v10, v7;
	vm0 =	veq.s32 v15, v0  }
0xa1: {  	s8 =	sadd.s32 $0xFFFFFFC0, s4;
	s7 =	sadd.s32 $0x4, s7;
	v6 =	vld [tilespmem:s3+$0xFFFFFFC0];
	v8 =	vsel vm0, v12, v8;
	v7 =	vsel vm0, v11, v7;
	vm0 =	veq.s32 v13, v0  }
0xa2: {  	_ =	sdelay $0x1  }
0xa3: {  	v9 =	vmov s6;
	s7 =	sadd.s32 $0x1, s6  }
0xa4: {  	v1 =	vsel vm0, v1, v8;
	s24 =	sadd.s32 $0x2, s6;
	v56 =	vmov s7;
	vm1 =	veq.s32 v9, v0  }
0xa5: {  	s25 =	sadd.s32 $0x3, s6;
	v57 =	vmov s24;
	vm2 =	veq.s32 v56, v0;
	v1 =	vsel vm1, v6, v1  }
0xa6: {  	v58 =	vld [tilespmem:s3+$0xFFFFFFD0];
	s26 =	sor.u32 $0x30, s8;
	s28 =	sadd.s32 $0xFFFFFFE0, s4;
	v59 =	vmov s25;
	vm3 =	veq.s32 v57, v0;
	v1 =	vsel vm2, v4, v1  }
0xa7: {  	v60 =	vld [tilespmem:s26+$0x1080];
	s29 =	sor.u32 $0x50, s28;
	vm4 =	veq.s32 v59, v0;
	v1 =	vsel vm3, v5, v1  }
0xa8: {  	s30 =	sor.u32 $0x70, s4;
	v61 =	vld [tilespmem:s29+$0x1080];
	v1 =	vsel vm4, v3, v1  }
0xa9: {  	v62 =	vld [tilespmem:s30+$0x1080];
	(xrf0) =	vmin.scan.msk.f32 $0xffff, v1  }
0xaa: {  	v2 =	vsel vm0, v2, v7  }
0xab: {  	v2 =	vsel vm1, v58, v2  }
0xac: {  	v2 =	vsel vm2, v60, v2  }
0xad: {  	v0 =	vsel vm3, v61, v2  }
0xae: {  	v0 =	vsel vm4, v62, v0  }
0xaf: {  	v0 =	vtrunc.f32 v0;
	v63, _, _ =	vpop (xrf0)  }
0xb0: {  	v0 =	vcvt.f32.s32 v0;
	v2 =	vbroadcast v63, $0xF;
	_ =	sdelay $0x1  }
0xb1: {  	v0 =	vxor.u32 $0x80000000, v0;
	vm15 =	veq.f32 v1, v2  }
0xb2: {  	v0 =	vnsel vm15, $0xFFFFFFFF, v0  }
0xb3: {  	(xrf0) =	vmin.scan.msk.u32 $0xffff, v0;
	_ =	sdelay $0x5  }
0xb4: {  	v0, _, _ =	vpop (xrf0)  }
0xb5: {  	(v2sf) =	vpush v0, $0xF;
	_ =	sdelay $0xe  }
0xb6: {  	s3 =	spop (v2sf)  }
0xb7: {  	s4 =	sxor.u32 $0x80000000, s3  }
0xb8: {  	s6 =	ssub.s32 s4, s5  }
0xb9: {  	p0 =	sgt.u32 s6, $0x7FF  }
0xba: {  	s3 =	sand.u32 @!p0 $0xF, s3  }
0xbb: {  	p1 =	seq.s32 @!p0 s4, s5;
	p2 =	sne.s32 @!p0 s3, $0x0  }
0xbc: {  	p1 =	por @!p0 !p1, !p2  }
0xbd: {  	p1 =	por @!p0 !p1, !p1  }
0xbe: {  	s3 =	simm.s32 @!p0 $0xFFFFFFFF;
	p1 =	por !p1, p0  }
0xbf: {  	s3 =	simm.s32 @p1 $0x0  }
0xc0: {  	s3 =	sshll.u32 @!p0 s3, $0x4  }
0xc1: {  	s3 =	sadd.s32 @!p0 s6, s3  }
0xc2: {  	s3 =	sand.u32 @!p0 $0xFFFFFFF0, s3  }
0xc3: {  	s31 =	simm.s32 $0x1;
	s6 =	ssub.s32 @!p0 s6, s3  }
0xc4: {  	_ =	swait.ge [sflag:s31], $0x800;
	v1 =	vlaneseq.u32 @!p0;
	v0 =	vmov @!p0 s6  }
0xc5: {  	[sflag:s31] =	ssyncset.done $0x0;
	s3 =	sadd.s32 @!p0 s5, s3;
	vm0 =	veq.s32 @!p0 v0, v1;
	v0 =	vimm.f32 @!p0 $0.0e+00  }
0xc6: {  	[sflag:s31] =	ssyncadd.s32 $0xFFFFF800;
	s3 =	sshrl.u32 @!p0 s3, $0x3;
	v0 =	vsel @!p0 vm0, $0x3F800000, v0  }
0xc7: {  	s4 =	simm.s32 @!p0 $0x1000;
	s2 =	sadd.s32 @!p0 s2, s3;
	s3 =	simm.s32 @!p0 $0x0;
	[tilespmem:$0x1000] =	vst @!p0 v0  }
0xc8: {  	[hbm4b:s2+s3] =	stream.linear.scatter @!p0 [tilespmem:s4], [sflag:$0x3], $0x10, $0x38;
	[tilespmem:$0x12A0] =	vst v63  }
0xc9: {  	s2 =	simm.s32 @!p0 $0x3  }
0xca: {  	_ =	swait.ge @!p0 [sflag:s2], $0x10  }
0xcb: {  	[sflag:s2] =	ssyncset.done @!p0 $0x0  }
0xcc: {  	[sflag:s2] =	ssyncadd.s32 @!p0 $0xFFFFFFF0  }
0xcd: {  	_ =	sfence.sel $0x180000  }
0xce: {  	[bflag:$0x0] =	sbarrier.arrive $0xFFFF  }
0xcf: {  	p0 =	sne.s32 s1, $0x0;
	_ =	strace $0x90000047  }
0xd0: {  	s0 =	sadd.s32 @!p0 $0x100000, s0;
	[bflag:$0x2] =	sbarrier.arrive $0xFFFF  }
0xd1: {  	[sflag:s0] =	ssyncadd.tile.s32 @!p0 $0x1;
	_ =	shalt  }
.Lfunc_end2:
_tile_overlayer_lowered:
.L_overlay_start_2:
0xd2: {  	(tag) =	ssettag $0x2  }
0xd3: {  	s0 =	rddreg [dreg:$0x0];
	s2 =	stileid.u32  }
0xd4: {  	s1 =	rddreg [dreg:$0x1];
	p0 =	sne.s32 s2, $0x0  }
0xd5: {  	s3 =	rddreg [dreg:$0x2];
	[bflag:$0x3] =	sbarrier.arrive $0xFFFF;
	s2 =	simm.s32 @!p0 $0x1C03  }
0xd6: {  	[timem:s3], [sflag:s2] =	dma.local @!p0 [hbm:s0], s1  }
0xd7: {  	s0 =	simm.s32 @!p0 $0x3  }
0xd8: {  	_ =	swait.ge @!p0 [sflag:s0], s1  }
0xd9: {  	s1 =	ssub.s32 @!p0 $0x0, s1;
	[sflag:s0] =	ssyncset.done @!p0 $0x0  }
0xda: {  	[sflag:s0] =	ssyncadd.s32 @!p0 s1  }
0xdb: {  	[bflag:$0x3] =	sbarrier.arrive $0xFFFF  }
0xdc: {  	_ =	shalt  }

</sc_bundles>
